<compile_context>
chip_gen: v7x
topology: tpu7x:2x2x1
jax: 0.10.2.dev20260603
libtpu: 0.0.44.dev20260713+nightly
codegen_flags: <defaults>
</compile_context>

<pallas_src>
import functools

import jax
import jax.numpy as jnp
from jax.experimental import pallas as pl

_LANES = 128
_BIGI = 1 << 30



def _fps_body(x_ref, o_ref, *, n_real, npoint):
    B, _, R, L = x_ref.shape
    x = x_ref[:, 0]
    y = x_ref[:, 1]
    z = x_ref[:, 2]
    ri = jax.lax.broadcasted_iota(jnp.int32, (B, R, L), 1)
    li = jax.lax.broadcasted_iota(jnp.int32, (B, R, L), 2)
    fid = ri * L + li
    dists0 = jnp.where(fid < n_real, jnp.float32(1e10), jnp.float32(-1.0))
    last0 = jnp.zeros((B,), dtype=jnp.int32)
    idxs0 = jnp.zeros((B, npoint), dtype=jnp.int32)
    col = jax.lax.broadcasted_iota(jnp.int32, (B, npoint), 1)

    def body(i, state):
        dists, idxs, last = state
        eq = fid == last[:, None, None]
        sx = jnp.sum(jnp.where(eq, x, 0.0), axis=(1, 2))
        sy = jnp.sum(jnp.where(eq, y, 0.0), axis=(1, 2))
        sz = jnp.sum(jnp.where(eq, z, 0.0), axis=(1, 2))
        dx = x - sx[:, None, None]
        dy = y - sy[:, None, None]
        dz = z - sz[:, None, None]
        d = (dx * dx + dy * dy) + dz * dz
        dists = jnp.minimum(dists, d)
        m = jnp.max(dists, axis=(1, 2))
        nxt = jnp.min(jnp.where(dists == m[:, None, None], fid, _BIGI), axis=(1, 2))
        nxt = nxt.astype(jnp.int32)
        idxs = jnp.where(col == i, nxt[:, None], idxs)
        return (dists, idxs, nxt)

    _, idxs, _ = jax.lax.fori_loop(1, npoint, body, (dists0, idxs0, last0))
    o_ref[...] = idxs


def _pad_layout(xyz):
    B, N, _ = xyz.shape
    rows = -(-N // _LANES)
    xt = jnp.transpose(xyz, (0, 2, 1))
    xt = jnp.pad(xt, ((0, 0), (0, 0), (0, rows * _LANES - N)), constant_values=1e3)
    return xt.reshape(B, 3, rows, _LANES)


def _fps_pallas(xt, n_real, npoint):
    B = xt.shape[0]
    return pl.pallas_call(
        functools.partial(_fps_body, n_real=n_real, npoint=npoint),
        out_shape=jax.ShapeDtypeStruct((B, npoint), jnp.int32),
    )(xt)



def _ball_body(x_ref, c_ref, lt128_ref, ltb_ref, o_ref, *, n_real, radius,
               nsample, ct_size):
    R, L = x_ref.shape[2], x_ref.shape[3]
    C = ct_size
    x = x_ref[0, 0]
    y = x_ref[0, 1]
    z = x_ref[0, 2]
    cx = c_ref[0, 0, 0, 0].reshape(C, 1, 1)
    cy = c_ref[0, 1, 0, 0].reshape(C, 1, 1)
    cz = c_ref[0, 2, 0, 0].reshape(C, 1, 1)
    bb = (x * x + y * y) + z * z
    aa = (cx * cx + cy * cy) + cz * cz
    xb = x.astype(jnp.bfloat16).astype(jnp.float32)
    yb = y.astype(jnp.bfloat16).astype(jnp.float32)
    zb = z.astype(jnp.bfloat16).astype(jnp.float32)
    cxb = cx.astype(jnp.bfloat16).astype(jnp.float32)
    cyb = cy.astype(jnp.bfloat16).astype(jnp.float32)
    czb = cz.astype(jnp.bfloat16).astype(jnp.float32)
    ab = (xb[None] * cxb + yb[None] * cyb) + zb[None] * czb
    d2 = (aa + bb[None]) - 2.0 * ab
    ri = jax.lax.broadcasted_iota(jnp.int32, (C, R, L), 1)
    li = jax.lax.broadcasted_iota(jnp.int32, (C, R, L), 2)
    fid = ri * L + li
    m = (d2 < radius * radius) & (fid < n_real)
    mf = m.astype(jnp.float32)
    rank_inc = jnp.dot(mf.reshape(C * R, L), lt128_ref[...],
                       preferred_element_type=jnp.float32).reshape(C, R, L)
    bs = jnp.sum(mf, axis=2)
    offs = jnp.dot(bs, ltb_ref[...], preferred_element_type=jnp.float32)
    rank = (rank_inc - mf) + offs[:, :, None]
    rk = jnp.where(m, rank, jnp.float32(40000.0))
    cnt = jnp.sum(bs, axis=1, keepdims=True)
    fidf = fid.astype(jnp.float32)
    sc = jax.lax.broadcasted_iota(jnp.int32, (C, nsample), 1)
    ext = jnp.zeros((C, nsample), dtype=jnp.float32)
    for s in range(nsample):
        v = jnp.sum(jnp.where(rk == jnp.float32(s), fidf, 0.0),
                    axis=(1, 2), keepdims=True)
        ext = jnp.where(sc == s, v[:, :, 0], ext)
    out = jnp.where(sc.astype(jnp.float32) < cnt, ext, ext[:, :1])
    o_ref[0] = out.astype(jnp.int32)


def _ball_query_pallas(radius, nsample, xt, n_real, new_xyz, ct_size=32):
    import numpy as _np
    B, _, R, L = xt.shape
    cen = jnp.transpose(new_xyz, (0, 2, 1))
    ncen = cen.shape[2]
    nct = ncen // ct_size
    cen = cen.reshape(B, 3, nct, 1, ct_size)
    lt128 = jnp.asarray(
        (_np.arange(_LANES)[:, None] <= _np.arange(_LANES)[None, :]).astype(_np.float32))
    ltb = jnp.asarray(
        (_np.arange(R)[:, None] < _np.arange(R)[None, :]).astype(_np.float32))
    return pl.pallas_call(
        functools.partial(_ball_body, n_real=n_real, radius=radius,
                          nsample=nsample, ct_size=ct_size),
        grid=(B, nct),
        in_specs=[
            pl.BlockSpec((1, 3, R, _LANES), lambda b, t: (b, 0, 0, 0)),
            pl.BlockSpec((1, 3, 1, 1, ct_size), lambda b, t: (b, 0, t, 0, 0)),
            pl.BlockSpec((_LANES, _LANES), lambda b, t: (0, 0)),
            pl.BlockSpec((R, R), lambda b, t: (0, 0)),
        ],
        out_specs=pl.BlockSpec((1, ct_size, nsample), lambda b, t: (b, t, 0)),
        out_shape=jax.ShapeDtypeStruct((B, ncen, nsample), jnp.int32),
    )(xt, cen, lt128, ltb)



def _sqdist(a, b):
    aa = jnp.sum(a * a, axis=-1)[:, :, None]
    bb = jnp.sum(b * b, axis=-1)[:, None, :]
    ab = jnp.einsum('bsd,bnd->bsn', a, b)
    return aa + bb - 2.0 * ab


def _ball_query(radius, nsample, xyz, new_xyz):
    d2 = _sqdist(new_xyz, xyz)
    mask = d2 < radius * radius
    order = jnp.argsort(jnp.where(mask, 0, 1).astype(jnp.int32), axis=-1)[..., :nsample]
    cnt = jnp.sum(mask, axis=-1)
    first = order[..., :1]
    valid = jnp.arange(nsample)[None, None, :] < cnt[..., None]
    return jnp.where(valid, order, first)


def _mlp_bn_relu(h, layers):
    for (W, gamma, beta) in layers:
        h = jnp.einsum('oc,bcsn->bosn', W, h)
        mean = jnp.mean(h, axis=(0, 2, 3), keepdims=True)
        var = jnp.var(h, axis=(0, 2, 3), keepdims=True)
        h = (h - mean) / jnp.sqrt(var + 1e-5)
        h = h * gamma.reshape(1, -1, 1, 1) + beta.reshape(1, -1, 1, 1)
        h = jax.nn.relu(h)
    return h


def _sa_module(xyz, features, npoint, radius, nsample, layers, normalize_xyz=True,
               use_pallas=False):
    if npoint is None:
        g_xyz = jnp.transpose(xyz, (0, 2, 1))[:, :, None, :]
        grouped = g_xyz if features is None else jnp.concatenate(
            [g_xyz, features[:, :, None, :]], axis=1)
        new_xyz = None
    else:
        N = xyz.shape[1]
        if use_pallas:
            xt = _pad_layout(xyz)
            inds = _fps_pallas(xt, N, npoint)
            new_xyz = jnp.take_along_axis(xyz, inds[:, :, None], axis=1)
            idx = _ball_query_pallas(radius, nsample, xt, N, new_xyz)
        else:
            xt = _pad_layout(xyz)
            inds = _fps_pallas(xt, N, npoint)
            new_xyz = jnp.take_along_axis(xyz, inds[:, :, None], axis=1)
            idx = _ball_query(radius, nsample, xyz, new_xyz)
        g = jnp.take_along_axis(xyz[:, None, :, :], idx[:, :, :, None], axis=2)
        g_xyz = g - new_xyz[:, :, None, :]
        if normalize_xyz:
            g_xyz = g_xyz / radius
        g_xyz = jnp.transpose(g_xyz, (0, 3, 1, 2))
        if features is None:
            grouped = g_xyz
        else:
            g_feat = jnp.take_along_axis(features[:, :, None, :], idx[:, None, :, :], axis=3)
            grouped = jnp.concatenate([g_xyz, g_feat], axis=1)
    h = _mlp_bn_relu(grouped, layers)
    feats = jnp.max(h, axis=-1)
    return new_xyz, feats


def kernel(pclist, params):
    xyz = pclist.astype(jnp.float32)
    sa1_xyz, sa1_f = _sa_module(xyz, None, 256, 0.2, 32, params['sa1'],
                                use_pallas=True)
    sa2_xyz, sa2_f = _sa_module(sa1_xyz, sa1_f, 64, 0.4, 64, params['sa2'])
    _, sa3_f = _sa_module(sa2_xyz, sa2_f, None, None, None, params['sa3'])
    _, sa4_f = _sa_module(sa2_xyz, sa2_f, 32, 0.6, 64, params['sa4'])
    return (sa3_f, sa4_f)

# --- scband reference (transcript-rebuilt; emitter-appended) ---
"""Pipeline reference for scband-box-feature-extractor-69526930588029 (READ-ONLY COPY).

The authoritative reference and input builder live on the scoring server;
editing this copy changes nothing except your own understanding.
"""

import jax, jax.numpy as jnp
import numpy as np

def sqdist(a, b):
    aa = jnp.sum(a * a, axis=-1)[:, :, None]
    bb = jnp.sum(b * b, axis=-1)[:, None, :]
    ab = jnp.einsum('bsd,bnd->bsn', a, b)
    return aa + bb - 2.0 * ab

def fps(xyz, npoint):
    B, N, _ = xyz.shape
    idxs0 = jnp.zeros((B, npoint), dtype=jnp.int32)
    dists0 = jnp.full((B, N), 1e10, dtype=xyz.dtype)
    last0 = jnp.zeros((B,), dtype=jnp.int32)
    def body(i, state):
        idxs, dists, last = state
        sel = jnp.take_along_axis(xyz, last[:, None, None], axis=1)
        d = jnp.sum((xyz - sel) ** 2, axis=-1)
        dists = jnp.minimum(dists, d)
        nxt = jnp.argmax(dists, axis=-1).astype(jnp.int32)
        idxs = idxs.at[:, i].set(nxt)
        return (idxs, dists, nxt)
    idxs, _, _ = jax.lax.fori_loop(1, npoint, body, (idxs0, dists0, last0))
    return idxs

def ball_query(radius, nsample, xyz, new_xyz):
    d2 = sqdist(new_xyz, xyz)
    mask = d2 < radius * radius
    order = jnp.argsort(jnp.where(mask, 0, 1).astype(jnp.int32), axis=-1)[..., :nsample]
    cnt = jnp.sum(mask, axis=-1)
    first = order[..., :1]
    valid = jnp.arange(nsample)[None, None, :] < cnt[..., None]
    return jnp.where(valid, order, first)

def mlp_bn_relu(h, layers):
    for (W, gamma, beta) in layers:
        h = jnp.einsum('oc,bcsn->bosn', W, h)
        mean = jnp.mean(h, axis=(0, 2, 3), keepdims=True)
        var = jnp.var(h, axis=(0, 2, 3), keepdims=True)
        h = (h - mean) / jnp.sqrt(var + 1e-5)
        h = h * gamma.reshape(1, -1, 1, 1) + beta.reshape(1, -1, 1, 1)
        h = jax.nn.relu(h)
    return h

def sa_module(xyz, features, npoint, radius, nsample, layers, normalize_xyz=True):
    if npoint is None:
        g_xyz = jnp.transpose(xyz, (0, 2, 1))[:, :, None, :]
        grouped = g_xyz if features is None else jnp.concatenate([g_xyz, features[:, :, None, :]], axis=1)
        new_xyz = None
    else:
        inds = fps(jax.lax.stop_gradient(xyz), npoint)
        new_xyz = jnp.take_along_axis(xyz, inds[:, :, None], axis=1)
        idx = ball_query(radius, nsample, xyz, new_xyz)
        g = jnp.take_along_axis(xyz[:, None, :, :], idx[:, :, :, None], axis=2)
        g_xyz = g - new_xyz[:, :, None, :]
        if normalize_xyz:
            g_xyz = g_xyz / radius
        g_xyz = jnp.transpose(g_xyz, (0, 3, 1, 2))
        if features is None:
            grouped = g_xyz
        else:
            g_feat = jnp.take_along_axis(features[:, :, None, :], idx[:, None, :, :], axis=3)
            grouped = jnp.concatenate([g_xyz, g_feat], axis=1)
    h = mlp_bn_relu(grouped, layers)
    feats = jnp.max(h, axis=-1)
    return new_xyz, feats

def _forward(pclist, params):
    xyz = pclist.astype(jnp.float32)
    sa1_xyz, sa1_f = sa_module(xyz, None, 256, 0.2, 32, params['sa1'])
    sa2_xyz, sa2_f = sa_module(sa1_xyz, sa1_f, 64, 0.4, 64, params['sa2'])
    _, sa3_f = sa_module(sa2_xyz, sa2_f, None, None, None, params['sa3'])
    _, sa4_f = sa_module(sa2_xyz, sa2_f, 32, 0.6, 64, params['sa4'])
    return (sa3_f, sa4_f)

def _make_layers(key, dims):
    layers = []
    for i in range(len(dims) - 1):
        key, k1 = jax.random.split(key)
        cin, cout = dims[i], dims[i + 1]
        W = jax.random.normal(k1, (cout, cin), dtype=jnp.float32) * np.sqrt(2.0 / cin)
        gamma = jnp.ones((cout,), dtype=jnp.float32)
        beta = jnp.zeros((cout,), dtype=jnp.float32)
        layers.append((W, gamma, beta))
    return layers

def setup_inputs(seed: int = 0):
    key = jax.random.key(seed)
    k0, k1, k2, k3, k4 = jax.random.split(key, 5)
    in_dim, out_dim = 0, 256
    pclist = jax.random.uniform(k0, (8, 20000, 3), dtype=jnp.float32)
    params = {
        'sa1': _make_layers(k1, [in_dim + 3, 64, 64, 128]),
        'sa2': _make_layers(k2, [128 + 3, 128, 128, 256]),
        'sa3': _make_layers(k3, [256 + 3, 128, 128, out_dim]),
        'sa4': _make_layers(k4, [256 + 3, 128, 128, out_dim]),
    }
    return {'pclist': pclist, 'params': params}

def reference(pclist, params):
    return _forward(pclist, params)

if __name__ == "__main__":
    import jax
    _d = setup_inputs()
    print(jax.jit(kernel)(*tuple(_d.values())))

</pallas_src>

<mosaic_0001>
module attributes {stable_mosaic.version = 14 : i64} {
  func.func @_fps_body(%arg0: memref<8x3x157x128xf32, #tpu.memory_space<vmem>>, %arg1: memref<8x256xi32, #tpu.memory_space<vmem>>) attributes {dimension_semantics = [], scalar_prefetch = 0 : i64, scratch_operands = 0 : i64, tpu.core_type = #tpu.core_type<tc>} {
    %get3A = arith.constant 0 : index
    %get3A_0 = arith.constant 0 : index
    %get3A_1 = arith.constant 0 : index
    %get3A_2 = arith.constant 0 : index
    %get3A_3 = vector.load %arg0[%get3A, %get3A_0, %get3A_1, %get3A_2] : memref<8x3x157x128xf32, #tpu.memory_space<vmem>>, vector<8x1x157x128xf32>
    %get3A_4 = vector.shape_cast %get3A_3 : vector<8x1x157x128xf32> to vector<8x157x128xf32>
    %get3A_5 = arith.constant 0 : index
    %get3A_6 = arith.constant 1 : index
    %get3A_7 = arith.constant 0 : index
    %get3A_8 = arith.constant 0 : index
    %get3A_9 = vector.load %arg0[%get3A_5, %get3A_6, %get3A_7, %get3A_8] : memref<8x3x157x128xf32, #tpu.memory_space<vmem>>, vector<8x1x157x128xf32>
    %get3A_10 = vector.shape_cast %get3A_9 : vector<8x1x157x128xf32> to vector<8x157x128xf32>
    %get3A_11 = arith.constant 0 : index
    %get3A_12 = arith.constant 2 : index
    %get3A_13 = arith.constant 0 : index
    %get3A_14 = arith.constant 0 : index
    %get3A_15 = vector.load %arg0[%get3A_11, %get3A_12, %get3A_13, %get3A_14] : memref<8x3x157x128xf32, #tpu.memory_space<vmem>>, vector<8x1x157x128xf32>
    %get3A_16 = vector.shape_cast %get3A_15 : vector<8x1x157x128xf32> to vector<8x157x128xf32>
    %iota3A = tpu.iota {dimensions = array<i32: 1>} : vector<8x157x128xi32>
    %iota3A_17 = tpu.iota {dimensions = array<i32: 2>} : vector<8x157x128xi32>
    %mul3A = arith.constant 128 : i32
    %mul3A_18 = vector.broadcast %mul3A : i32 to vector<8x157x128xi32>
    %mul3A_19 = arith.muli %iota3A, %mul3A_18 : vector<8x157x128xi32>
    %add3A = arith.addi %mul3A_19, %iota3A_17 : vector<8x157x128xi32>
    %lt3A = arith.constant 20000 : i32
    %lt3A_20 = vector.broadcast %lt3A : i32 to vector<8x157x128xi32>
    %lt3A_21 = arith.cmpi slt, %add3A, %lt3A_20 : vector<8x157x128xi32>
    %jit3A = arith.constant 1.000000e+10 : f32
    %jit3A_22 = arith.constant -1.000000e+00 : f32
    %broadcast_in_dim3A = vector.broadcast %jit3A : f32 to vector<8x157x128xf32>
    %broadcast_in_dim3A_23 = vector.broadcast %jit3A_22 : f32 to vector<8x157x128xf32>
    %select_n3A = arith.select %lt3A_21, %broadcast_in_dim3A, %broadcast_in_dim3A_23 : vector<8x157x128xi1>, vector<8x157x128xf32>
    %broadcast_in_dim3A_24 = arith.constant 0 : i32
    %broadcast_in_dim3A_25 = vector.broadcast %broadcast_in_dim3A_24 : i32 to vector<8xi32>
    %broadcast_in_dim3A_26 = arith.constant 0 : i32
    %broadcast_in_dim3A_27 = vector.broadcast %broadcast_in_dim3A_26 : i32 to vector<8x256xi32>
    %iota3A_28 = tpu.iota {dimensions = array<i32: 1>} : vector<8x256xi32>
    %scan3A = arith.constant 1 : i32
    %scan3A_29 = arith.constant 255 : i32
    %scan3A_30 = arith.addi %scan3A, %scan3A_29 : i32
    %scan3A_31 = arith.constant 1 : i32
    %scan3A_32:3 = scf.for %scan3A_36 = %scan3A to %scan3A_30 step %scan3A_31 iter_args(%scan3A_37 = %select_n3A, %scan3A_38 = %broadcast_in_dim3A_27, %scan3A_39 = %broadcast_in_dim3A_25) -> (vector<8x157x128xf32>, vector<8x256xi32>, vector<8xi32>)  : i32 {
      %broadcast_in_dim3A_40 = vector.shape_cast %scan3A_39 : vector<8xi32> to vector<8x1x1xi32>
      %eq3A = vector.broadcast %broadcast_in_dim3A_40 : vector<8x1x1xi32> to vector<8x157x128xi32>
      %eq3A_41 = arith.cmpi eq, %add3A, %eq3A : vector<8x157x128xi32>
      %jit3A_42 = arith.constant 0.000000e+00 : f32
      %broadcast_in_dim3A_43 = vector.broadcast %jit3A_42 : f32 to vector<8x157x128xf32>
      %select_n3A_44 = arith.select %eq3A_41, %get3A_4, %broadcast_in_dim3A_43 : vector<8x157x128xi1>, vector<8x157x128xf32>
      %reduce_sum3A = arith.constant dense<0.000000e+00> : vector<8xf32>
      %reduce_sum3A_45 = vector.multi_reduction <add>, %select_n3A_44, %reduce_sum3A [1, 2] : vector<8x157x128xf32> to vector<8xf32>
      %jit3A_46 = arith.constant 0.000000e+00 : f32
      %broadcast_in_dim3A_47 = vector.broadcast %jit3A_46 : f32 to vector<8x157x128xf32>
      %select_n3A_48 = arith.select %eq3A_41, %get3A_10, %broadcast_in_dim3A_47 : vector<8x157x128xi1>, vector<8x157x128xf32>
      %reduce_sum3A_49 = arith.constant dense<0.000000e+00> : vector<8xf32>
      %reduce_sum3A_50 = vector.multi_reduction <add>, %select_n3A_48, %reduce_sum3A_49 [1, 2] : vector<8x157x128xf32> to vector<8xf32>
      %jit3A_51 = arith.constant 0.000000e+00 : f32
      %broadcast_in_dim3A_52 = vector.broadcast %jit3A_51 : f32 to vector<8x157x128xf32>
      %select_n3A_53 = arith.select %eq3A_41, %get3A_16, %broadcast_in_dim3A_52 : vector<8x157x128xi1>, vector<8x157x128xf32>
      %reduce_sum3A_54 = arith.constant dense<0.000000e+00> : vector<8xf32>
      %reduce_sum3A_55 = vector.multi_reduction <add>, %select_n3A_53, %reduce_sum3A_54 [1, 2] : vector<8x157x128xf32> to vector<8xf32>
      %broadcast_in_dim3A_56 = vector.shape_cast %reduce_sum3A_45 : vector<8xf32> to vector<8x1x1xf32>
      %sub3A = vector.broadcast %broadcast_in_dim3A_56 : vector<8x1x1xf32> to vector<8x157x128xf32>
      %sub3A_57 = arith.subf %get3A_4, %sub3A : vector<8x157x128xf32>
      %broadcast_in_dim3A_58 = vector.shape_cast %reduce_sum3A_50 : vector<8xf32> to vector<8x1x1xf32>
      %sub3A_59 = vector.broadcast %broadcast_in_dim3A_58 : vector<8x1x1xf32> to vector<8x157x128xf32>
      %sub3A_60 = arith.subf %get3A_10, %sub3A_59 : vector<8x157x128xf32>
      %broadcast_in_dim3A_61 = vector.shape_cast %reduce_sum3A_55 : vector<8xf32> to vector<8x1x1xf32>
      %sub3A_62 = vector.broadcast %broadcast_in_dim3A_61 : vector<8x1x1xf32> to vector<8x157x128xf32>
      %sub3A_63 = arith.subf %get3A_16, %sub3A_62 : vector<8x157x128xf32>
      %mul3A_64 = arith.mulf %sub3A_57, %sub3A_57 : vector<8x157x128xf32>
      %mul3A_65 = arith.mulf %sub3A_60, %sub3A_60 : vector<8x157x128xf32>
      %add3A_66 = arith.addf %mul3A_64, %mul3A_65 : vector<8x157x128xf32>
      %mul3A_67 = arith.mulf %sub3A_63, %sub3A_63 : vector<8x157x128xf32>
      %add3A_68 = arith.addf %add3A_66, %mul3A_67 : vector<8x157x128xf32>
      %min3A = arith.minimumf %scan3A_37, %add3A_68 : vector<8x157x128xf32>
      %reduce_max3A = arith.constant dense<0xFF800000> : vector<8xf32>
      %reduce_max3A_69 = vector.multi_reduction <maximumf>, %min3A, %reduce_max3A [1, 2] : vector<8x157x128xf32> to vector<8xf32>
      %broadcast_in_dim3A_70 = vector.shape_cast %reduce_max3A_69 : vector<8xf32> to vector<8x1x1xf32>
      %eq3A_71 = vector.broadcast %broadcast_in_dim3A_70 : vector<8x1x1xf32> to vector<8x157x128xf32>
      %eq3A_72 = arith.cmpf oeq, %min3A, %eq3A_71 : vector<8x157x128xf32>
      %jit3A_73 = arith.constant 1073741824 : i32
      %broadcast_in_dim3A_74 = vector.broadcast %jit3A_73 : i32 to vector<8x157x128xi32>
      %select_n3A_75 = arith.select %eq3A_72, %add3A, %broadcast_in_dim3A_74 : vector<8x157x128xi1>, vector<8x157x128xi32>
      %reduce_min3A = arith.constant dense<2147483647> : vector<8xi32>
      %reduce_min3A_76 = vector.multi_reduction <minsi>, %select_n3A_75, %reduce_min3A [1, 2] : vector<8x157x128xi32> to vector<8xi32>
      %eq3A_77 = vector.broadcast %scan3A_36 : i32 to vector<8x256xi32>
      %eq3A_78 = arith.cmpi eq, %iota3A_28, %eq3A_77 : vector<8x256xi32>
      %broadcast_in_dim3A_79 = vector.shape_cast %reduce_min3A_76 : vector<8xi32> to vector<8x1xi32>
      %broadcast_in_dim3A_80 = vector.shape_cast %broadcast_in_dim3A_79 : vector<8x1xi32> to vector<8x1xi32>
      %broadcast_in_dim3A_81 = vector.broadcast %broadcast_in_dim3A_80 : vector<8x1xi32> to vector<8x256xi32>
      %select_n3A_82 = arith.select %eq3A_78, %broadcast_in_dim3A_81, %scan3A_38 : vector<8x256xi1>, vector<8x256xi32>
      scf.yield %min3A, %select_n3A_82, %reduce_min3A_76 : vector<8x157x128xf32>, vector<8x256xi32>, vector<8xi32>
    }
    %scan3A_33 = arith.constant 255 : i32
    %swap3A = arith.constant 0 : index
    %swap3A_34 = arith.constant 0 : index
    %swap3A_35 = vector.load %arg1[%swap3A, %swap3A_34] : memref<8x256xi32, #tpu.memory_space<vmem>>, vector<8x256xi32>
    tpu.vector_store %arg1[%swap3A, %swap3A_34], %scan3A_32#1 {strides = array<i32>} : memref<8x256xi32, #tpu.memory_space<vmem>>, vector<8x256xi32>,
    return
  }
}

module attributes {stable_mosaic.version = 14 : i64} {
  func.func @_fps_body(%arg0: memref<8x3x2x128xf32, #tpu.memory_space<vmem>>, %arg1: memref<8x64xi32, #tpu.memory_space<vmem>>) attributes {dimension_semantics = [], scalar_prefetch = 0 : i64, scratch_operands = 0 : i64, tpu.core_type = #tpu.core_type<tc>} {
    %get3A = arith.constant 0 : index
    %get3A_0 = arith.constant 0 : index
    %get3A_1 = arith.constant 0 : index
    %get3A_2 = arith.constant 0 : index
    %get3A_3 = vector.load %arg0[%get3A, %get3A_0, %get3A_1, %get3A_2] : memref<8x3x2x128xf32, #tpu.memory_space<vmem>>, vector<8x1x2x128xf32>
    %get3A_4 = vector.shape_cast %get3A_3 : vector<8x1x2x128xf32> to vector<8x2x128xf32>
    %get3A_5 = arith.constant 0 : index
    %get3A_6 = arith.constant 1 : index
    %get3A_7 = arith.constant 0 : index
    %get3A_8 = arith.constant 0 : index
    %get3A_9 = vector.load %arg0[%get3A_5, %get3A_6, %get3A_7, %get3A_8] : memref<8x3x2x128xf32, #tpu.memory_space<vmem>>, vector<8x1x2x128xf32>
    %get3A_10 = vector.shape_cast %get3A_9 : vector<8x1x2x128xf32> to vector<8x2x128xf32>
    %get3A_11 = arith.constant 0 : index
    %get3A_12 = arith.constant 2 : index
    %get3A_13 = arith.constant 0 : index
    %get3A_14 = arith.constant 0 : index
    %get3A_15 = vector.load %arg0[%get3A_11, %get3A_12, %get3A_13, %get3A_14] : memref<8x3x2x128xf32, #tpu.memory_space<vmem>>, vector<8x1x2x128xf32>
    %get3A_16 = vector.shape_cast %get3A_15 : vector<8x1x2x128xf32> to vector<8x2x128xf32>
    %iota3A = tpu.iota {dimensions = array<i32: 1>} : vector<8x2x128xi32>
    %iota3A_17 = tpu.iota {dimensions = array<i32: 2>} : vector<8x2x128xi32>
    %mul3A = arith.constant 128 : i32
    %mul3A_18 = vector.broadcast %mul3A : i32 to vector<8x2x128xi32>
    %mul3A_19 = arith.muli %iota3A, %mul3A_18 : vector<8x2x128xi32>
    %add3A = arith.addi %mul3A_19, %iota3A_17 : vector<8x2x128xi32>
    %lt3A = arith.constant 256 : i32
    %lt3A_20 = vector.broadcast %lt3A : i32 to vector<8x2x128xi32>
    %lt3A_21 = arith.cmpi slt, %add3A, %lt3A_20 : vector<8x2x128xi32>
    %jit3A = arith.constant 1.000000e+10 : f32
    %jit3A_22 = arith.constant -1.000000e+00 : f32
    %broadcast_in_dim3A = vector.broadcast %jit3A : f32 to vector<8x2x128xf32>
    %broadcast_in_dim3A_23 = vector.broadcast %jit3A_22 : f32 to vector<8x2x128xf32>
    %select_n3A = arith.select %lt3A_21, %broadcast_in_dim3A, %broadcast_in_dim3A_23 : vector<8x2x128xi1>, vector<8x2x128xf32>
    %broadcast_in_dim3A_24 = arith.constant 0 : i32
    %broadcast_in_dim3A_25 = vector.broadcast %broadcast_in_dim3A_24 : i32 to vector<8xi32>
    %broadcast_in_dim3A_26 = arith.constant 0 : i32
    %broadcast_in_dim3A_27 = vector.broadcast %broadcast_in_dim3A_26 : i32 to vector<8x64xi32>
    %iota3A_28 = tpu.iota {dimensions = array<i32: 1>} : vector<8x64xi32>
    %scan3A = arith.constant 1 : i32
    %scan3A_29 = arith.constant 63 : i32
    %scan3A_30 = arith.addi %scan3A, %scan3A_29 : i32
    %scan3A_31 = arith.constant 1 : i32
    %scan3A_32:3 = scf.for %scan3A_36 = %scan3A to %scan3A_30 step %scan3A_31 iter_args(%scan3A_37 = %select_n3A, %scan3A_38 = %broadcast_in_dim3A_27, %scan3A_39 = %broadcast_in_dim3A_25) -> (vector<8x2x128xf32>, vector<8x64xi32>, vector<8xi32>)  : i32 {
      %broadcast_in_dim3A_40 = vector.shape_cast %scan3A_39 : vector<8xi32> to vector<8x1x1xi32>
      %eq3A = vector.broadcast %broadcast_in_dim3A_40 : vector<8x1x1xi32> to vector<8x2x128xi32>
      %eq3A_41 = arith.cmpi eq, %add3A, %eq3A : vector<8x2x128xi32>
      %jit3A_42 = arith.constant 0.000000e+00 : f32
      %broadcast_in_dim3A_43 = vector.broadcast %jit3A_42 : f32 to vector<8x2x128xf32>
      %select_n3A_44 = arith.select %eq3A_41, %get3A_4, %broadcast_in_dim3A_43 : vector<8x2x128xi1>, vector<8x2x128xf32>
      %reduce_sum3A = arith.constant dense<0.000000e+00> : vector<8xf32>
      %reduce_sum3A_45 = vector.multi_reduction <add>, %select_n3A_44, %reduce_sum3A [1, 2] : vector<8x2x128xf32> to vector<8xf32>
      %jit3A_46 = arith.constant 0.000000e+00 : f32
      %broadcast_in_dim3A_47 = vector.broadcast %jit3A_46 : f32 to vector<8x2x128xf32>
      %select_n3A_48 = arith.select %eq3A_41, %get3A_10, %broadcast_in_dim3A_47 : vector<8x2x128xi1>, vector<8x2x128xf32>
      %reduce_sum3A_49 = arith.constant dense<0.000000e+00> : vector<8xf32>
      %reduce_sum3A_50 = vector.multi_reduction <add>, %select_n3A_48, %reduce_sum3A_49 [1, 2] : vector<8x2x128xf32> to vector<8xf32>
      %jit3A_51 = arith.constant 0.000000e+00 : f32
      %broadcast_in_dim3A_52 = vector.broadcast %jit3A_51 : f32 to vector<8x2x128xf32>
      %select_n3A_53 = arith.select %eq3A_41, %get3A_16, %broadcast_in_dim3A_52 : vector<8x2x128xi1>, vector<8x2x128xf32>
      %reduce_sum3A_54 = arith.constant dense<0.000000e+00> : vector<8xf32>
      %reduce_sum3A_55 = vector.multi_reduction <add>, %select_n3A_53, %reduce_sum3A_54 [1, 2] : vector<8x2x128xf32> to vector<8xf32>
      %broadcast_in_dim3A_56 = vector.shape_cast %reduce_sum3A_45 : vector<8xf32> to vector<8x1x1xf32>
      %sub3A = vector.broadcast %broadcast_in_dim3A_56 : vector<8x1x1xf32> to vector<8x2x128xf32>
      %sub3A_57 = arith.subf %get3A_4, %sub3A : vector<8x2x128xf32>
      %broadcast_in_dim3A_58 = vector.shape_cast %reduce_sum3A_50 : vector<8xf32> to vector<8x1x1xf32>
      %sub3A_59 = vector.broadcast %broadcast_in_dim3A_58 : vector<8x1x1xf32> to vector<8x2x128xf32>
      %sub3A_60 = arith.subf %get3A_10, %sub3A_59 : vector<8x2x128xf32>
      %broadcast_in_dim3A_61 = vector.shape_cast %reduce_sum3A_55 : vector<8xf32> to vector<8x1x1xf32>
      %sub3A_62 = vector.broadcast %broadcast_in_dim3A_61 : vector<8x1x1xf32> to vector<8x2x128xf32>
      %sub3A_63 = arith.subf %get3A_16, %sub3A_62 : vector<8x2x128xf32>
      %mul3A_64 = arith.mulf %sub3A_57, %sub3A_57 : vector<8x2x128xf32>
      %mul3A_65 = arith.mulf %sub3A_60, %sub3A_60 : vector<8x2x128xf32>
      %add3A_66 = arith.addf %mul3A_64, %mul3A_65 : vector<8x2x128xf32>
      %mul3A_67 = arith.mulf %sub3A_63, %sub3A_63 : vector<8x2x128xf32>
      %add3A_68 = arith.addf %add3A_66, %mul3A_67 : vector<8x2x128xf32>
      %min3A = arith.minimumf %scan3A_37, %add3A_68 : vector<8x2x128xf32>
      %reduce_max3A = arith.constant dense<0xFF800000> : vector<8xf32>
      %reduce_max3A_69 = vector.multi_reduction <maximumf>, %min3A, %reduce_max3A [1, 2] : vector<8x2x128xf32> to vector<8xf32>
      %broadcast_in_dim3A_70 = vector.shape_cast %reduce_max3A_69 : vector<8xf32> to vector<8x1x1xf32>
      %eq3A_71 = vector.broadcast %broadcast_in_dim3A_70 : vector<8x1x1xf32> to vector<8x2x128xf32>
      %eq3A_72 = arith.cmpf oeq, %min3A, %eq3A_71 : vector<8x2x128xf32>
      %jit3A_73 = arith.constant 1073741824 : i32
      %broadcast_in_dim3A_74 = vector.broadcast %jit3A_73 : i32 to vector<8x2x128xi32>
      %select_n3A_75 = arith.select %eq3A_72, %add3A, %broadcast_in_dim3A_74 : vector<8x2x128xi1>, vector<8x2x128xi32>
      %reduce_min3A = arith.constant dense<2147483647> : vector<8xi32>
      %reduce_min3A_76 = vector.multi_reduction <minsi>, %select_n3A_75, %reduce_min3A [1, 2] : vector<8x2x128xi32> to vector<8xi32>
      %eq3A_77 = vector.broadcast %scan3A_36 : i32 to vector<8x64xi32>
      %eq3A_78 = arith.cmpi eq, %iota3A_28, %eq3A_77 : vector<8x64xi32>
      %broadcast_in_dim3A_79 = vector.shape_cast %reduce_min3A_76 : vector<8xi32> to vector<8x1xi32>
      %broadcast_in_dim3A_80 = vector.shape_cast %broadcast_in_dim3A_79 : vector<8x1xi32> to vector<8x1xi32>
      %broadcast_in_dim3A_81 = vector.broadcast %broadcast_in_dim3A_80 : vector<8x1xi32> to vector<8x64xi32>
      %select_n3A_82 = arith.select %eq3A_78, %broadcast_in_dim3A_81, %scan3A_38 : vector<8x64xi1>, vector<8x64xi32>
      scf.yield %min3A, %select_n3A_82, %reduce_min3A_76 : vector<8x2x128xf32>, vector<8x64xi32>, vector<8xi32>
    }
    %scan3A_33 = arith.constant 63 : i32
    %swap3A = arith.constant 0 : index
    %swap3A_34 = arith.constant 0 : index
    %swap3A_35 = vector.load %arg1[%swap3A, %swap3A_34] : memref<8x64xi32, #tpu.memory_space<vmem>>, vector<8x64xi32>
    tpu.vector_store %arg1[%swap3A, %swap3A_34], %scan3A_32#1 {strides = array<i32>} : memref<8x64xi32, #tpu.memory_space<vmem>>, vector<8x64xi32>,
    return
  }
}

module attributes {stable_mosaic.version = 14 : i64} {
  func.func @_fps_body(%arg0: memref<8x3x1x128xf32, #tpu.memory_space<vmem>>, %arg1: memref<8x32xi32, #tpu.memory_space<vmem>>) attributes {dimension_semantics = [], scalar_prefetch = 0 : i64, scratch_operands = 0 : i64, tpu.core_type = #tpu.core_type<tc>} {
    %get3A = arith.constant 0 : index
    %get3A_0 = arith.constant 0 : index
    %get3A_1 = arith.constant 0 : index
    %get3A_2 = arith.constant 0 : index
    %get3A_3 = vector.load %arg0[%get3A, %get3A_0, %get3A_1, %get3A_2] : memref<8x3x1x128xf32, #tpu.memory_space<vmem>>, vector<8x1x1x128xf32>
    %get3A_4 = vector.shape_cast %get3A_3 : vector<8x1x1x128xf32> to vector<8x1x128xf32>
    %get3A_5 = arith.constant 0 : index
    %get3A_6 = arith.constant 1 : index
    %get3A_7 = arith.constant 0 : index
    %get3A_8 = arith.constant 0 : index
    %get3A_9 = vector.load %arg0[%get3A_5, %get3A_6, %get3A_7, %get3A_8] : memref<8x3x1x128xf32, #tpu.memory_space<vmem>>, vector<8x1x1x128xf32>
    %get3A_10 = vector.shape_cast %get3A_9 : vector<8x1x1x128xf32> to vector<8x1x128xf32>
    %get3A_11 = arith.constant 0 : index
    %get3A_12 = arith.constant 2 : index
    %get3A_13 = arith.constant 0 : index
    %get3A_14 = arith.constant 0 : index
    %get3A_15 = vector.load %arg0[%get3A_11, %get3A_12, %get3A_13, %get3A_14] : memref<8x3x1x128xf32, #tpu.memory_space<vmem>>, vector<8x1x1x128xf32>
    %get3A_16 = vector.shape_cast %get3A_15 : vector<8x1x1x128xf32> to vector<8x1x128xf32>
    %iota3A = tpu.iota {dimensions = array<i32: 1>} : vector<8x1x128xi32>
    %iota3A_17 = tpu.iota {dimensions = array<i32: 2>} : vector<8x1x128xi32>
    %mul3A = arith.constant 128 : i32
    %mul3A_18 = vector.broadcast %mul3A : i32 to vector<8x1x128xi32>
    %mul3A_19 = arith.muli %iota3A, %mul3A_18 : vector<8x1x128xi32>
    %add3A = arith.addi %mul3A_19, %iota3A_17 : vector<8x1x128xi32>
    %lt3A = arith.constant 64 : i32
    %lt3A_20 = vector.broadcast %lt3A : i32 to vector<8x1x128xi32>
    %lt3A_21 = arith.cmpi slt, %add3A, %lt3A_20 : vector<8x1x128xi32>
    %jit3A = arith.constant 1.000000e+10 : f32
    %jit3A_22 = arith.constant -1.000000e+00 : f32
    %broadcast_in_dim3A = vector.broadcast %jit3A : f32 to vector<8x1x128xf32>
    %broadcast_in_dim3A_23 = vector.broadcast %jit3A_22 : f32 to vector<8x1x128xf32>
    %select_n3A = arith.select %lt3A_21, %broadcast_in_dim3A, %broadcast_in_dim3A_23 : vector<8x1x128xi1>, vector<8x1x128xf32>
    %broadcast_in_dim3A_24 = arith.constant 0 : i32
    %broadcast_in_dim3A_25 = vector.broadcast %broadcast_in_dim3A_24 : i32 to vector<8xi32>
    %broadcast_in_dim3A_26 = arith.constant 0 : i32
    %broadcast_in_dim3A_27 = vector.broadcast %broadcast_in_dim3A_26 : i32 to vector<8x32xi32>
    %iota3A_28 = tpu.iota {dimensions = array<i32: 1>} : vector<8x32xi32>
    %scan3A = arith.constant 1 : i32
    %scan3A_29 = arith.constant 31 : i32
    %scan3A_30 = arith.addi %scan3A, %scan3A_29 : i32
    %scan3A_31 = arith.constant 1 : i32
    %scan3A_32:3 = scf.for %scan3A_36 = %scan3A to %scan3A_30 step %scan3A_31 iter_args(%scan3A_37 = %select_n3A, %scan3A_38 = %broadcast_in_dim3A_27, %scan3A_39 = %broadcast_in_dim3A_25) -> (vector<8x1x128xf32>, vector<8x32xi32>, vector<8xi32>)  : i32 {
      %broadcast_in_dim3A_40 = vector.shape_cast %scan3A_39 : vector<8xi32> to vector<8x1x1xi32>
      %eq3A = vector.broadcast %broadcast_in_dim3A_40 : vector<8x1x1xi32> to vector<8x1x128xi32>
      %eq3A_41 = arith.cmpi eq, %add3A, %eq3A : vector<8x1x128xi32>
      %jit3A_42 = arith.constant 0.000000e+00 : f32
      %broadcast_in_dim3A_43 = vector.broadcast %jit3A_42 : f32 to vector<8x1x128xf32>
      %select_n3A_44 = arith.select %eq3A_41, %get3A_4, %broadcast_in_dim3A_43 : vector<8x1x128xi1>, vector<8x1x128xf32>
      %reduce_sum3A = arith.constant dense<0.000000e+00> : vector<8xf32>
      %reduce_sum3A_45 = vector.multi_reduction <add>, %select_n3A_44, %reduce_sum3A [1, 2] : vector<8x1x128xf32> to vector<8xf32>
      %jit3A_46 = arith.constant 0.000000e+00 : f32
      %broadcast_in_dim3A_47 = vector.broadcast %jit3A_46 : f32 to vector<8x1x128xf32>
      %select_n3A_48 = arith.select %eq3A_41, %get3A_10, %broadcast_in_dim3A_47 : vector<8x1x128xi1>, vector<8x1x128xf32>
      %reduce_sum3A_49 = arith.constant dense<0.000000e+00> : vector<8xf32>
      %reduce_sum3A_50 = vector.multi_reduction <add>, %select_n3A_48, %reduce_sum3A_49 [1, 2] : vector<8x1x128xf32> to vector<8xf32>
      %jit3A_51 = arith.constant 0.000000e+00 : f32
      %broadcast_in_dim3A_52 = vector.broadcast %jit3A_51 : f32 to vector<8x1x128xf32>
      %select_n3A_53 = arith.select %eq3A_41, %get3A_16, %broadcast_in_dim3A_52 : vector<8x1x128xi1>, vector<8x1x128xf32>
      %reduce_sum3A_54 = arith.constant dense<0.000000e+00> : vector<8xf32>
      %reduce_sum3A_55 = vector.multi_reduction <add>, %select_n3A_53, %reduce_sum3A_54 [1, 2] : vector<8x1x128xf32> to vector<8xf32>
      %broadcast_in_dim3A_56 = vector.shape_cast %reduce_sum3A_45 : vector<8xf32> to vector<8x1x1xf32>
      %sub3A = vector.broadcast %broadcast_in_dim3A_56 : vector<8x1x1xf32> to vector<8x1x128xf32>
      %sub3A_57 = arith.subf %get3A_4, %sub3A : vector<8x1x128xf32>
      %broadcast_in_dim3A_58 = vector.shape_cast %reduce_sum3A_50 : vector<8xf32> to vector<8x1x1xf32>
      %sub3A_59 = vector.broadcast %broadcast_in_dim3A_58 : vector<8x1x1xf32> to vector<8x1x128xf32>
      %sub3A_60 = arith.subf %get3A_10, %sub3A_59 : vector<8x1x128xf32>
      %broadcast_in_dim3A_61 = vector.shape_cast %reduce_sum3A_55 : vector<8xf32> to vector<8x1x1xf32>
      %sub3A_62 = vector.broadcast %broadcast_in_dim3A_61 : vector<8x1x1xf32> to vector<8x1x128xf32>
      %sub3A_63 = arith.subf %get3A_16, %sub3A_62 : vector<8x1x128xf32>
      %mul3A_64 = arith.mulf %sub3A_57, %sub3A_57 : vector<8x1x128xf32>
      %mul3A_65 = arith.mulf %sub3A_60, %sub3A_60 : vector<8x1x128xf32>
      %add3A_66 = arith.addf %mul3A_64, %mul3A_65 : vector<8x1x128xf32>
      %mul3A_67 = arith.mulf %sub3A_63, %sub3A_63 : vector<8x1x128xf32>
      %add3A_68 = arith.addf %add3A_66, %mul3A_67 : vector<8x1x128xf32>
      %min3A = arith.minimumf %scan3A_37, %add3A_68 : vector<8x1x128xf32>
      %reduce_max3A = arith.constant dense<0xFF800000> : vector<8xf32>
      %reduce_max3A_69 = vector.multi_reduction <maximumf>, %min3A, %reduce_max3A [1, 2] : vector<8x1x128xf32> to vector<8xf32>
      %broadcast_in_dim3A_70 = vector.shape_cast %reduce_max3A_69 : vector<8xf32> to vector<8x1x1xf32>
      %eq3A_71 = vector.broadcast %broadcast_in_dim3A_70 : vector<8x1x1xf32> to vector<8x1x128xf32>
      %eq3A_72 = arith.cmpf oeq, %min3A, %eq3A_71 : vector<8x1x128xf32>
      %jit3A_73 = arith.constant 1073741824 : i32
      %broadcast_in_dim3A_74 = vector.broadcast %jit3A_73 : i32 to vector<8x1x128xi32>
      %select_n3A_75 = arith.select %eq3A_72, %add3A, %broadcast_in_dim3A_74 : vector<8x1x128xi1>, vector<8x1x128xi32>
      %reduce_min3A = arith.constant dense<2147483647> : vector<8xi32>
      %reduce_min3A_76 = vector.multi_reduction <minsi>, %select_n3A_75, %reduce_min3A [1, 2] : vector<8x1x128xi32> to vector<8xi32>
      %eq3A_77 = vector.broadcast %scan3A_36 : i32 to vector<8x32xi32>
      %eq3A_78 = arith.cmpi eq, %iota3A_28, %eq3A_77 : vector<8x32xi32>
      %broadcast_in_dim3A_79 = vector.shape_cast %reduce_min3A_76 : vector<8xi32> to vector<8x1xi32>
      %broadcast_in_dim3A_80 = vector.shape_cast %broadcast_in_dim3A_79 : vector<8x1xi32> to vector<8x1xi32>
      %broadcast_in_dim3A_81 = vector.broadcast %broadcast_in_dim3A_80 : vector<8x1xi32> to vector<8x32xi32>
      %select_n3A_82 = arith.select %eq3A_78, %broadcast_in_dim3A_81, %scan3A_38 : vector<8x32xi1>, vector<8x32xi32>
      scf.yield %min3A, %select_n3A_82, %reduce_min3A_76 : vector<8x1x128xf32>, vector<8x32xi32>, vector<8xi32>
    }
    %scan3A_33 = arith.constant 31 : i32
    %swap3A = arith.constant 0 : index
    %swap3A_34 = arith.constant 0 : index
    %swap3A_35 = vector.load %arg1[%swap3A, %swap3A_34] : memref<8x32xi32, #tpu.memory_space<vmem>>, vector<8x32xi32>
    tpu.vector_store %arg1[%swap3A, %swap3A_34], %scan3A_32#1 {strides = array<i32>} : memref<8x32xi32, #tpu.memory_space<vmem>>, vector<8x32xi32>,
    return
  }
}

module attributes {stable_mosaic.version = 14 : i64} {
  func.func @_ball_body(%arg0: i32, %arg1: i32, %arg2: memref<1x3x157x128xf32, #tpu.memory_space<vmem>>, %arg3: memref<1x3x1x1x32xf32, #tpu.memory_space<vmem>>, %arg4: memref<128x128xf32, #tpu.memory_space<vmem>>, %arg5: memref<157x157xf32, #tpu.memory_space<vmem>>, %arg6: memref<1x32x32xi32, #tpu.memory_space<vmem>>) attributes {dimension_semantics = [#tpu.dimension_semantics<arbitrary>, #tpu.dimension_semantics<arbitrary>], iteration_bounds = array<i64: 8, 8>, scalar_prefetch = 0 : i64, scratch_operands = 0 : i64, tpu.core_type = #tpu.core_type<tc>, window_params = [{transform_indices = @transform_0, window_bounds = array<i64: 1, 3, 157, 128>}, {transform_indices = @transform_1, window_bounds = array<i64: 1, 3, 1, 1, 32>}, {pipeline_mode = #tpu.pipeline_mode<synchronous>, transform_indices = @transform_2, window_bounds = array<i64: 128, 128>}, {pipeline_mode = #tpu.pipeline_mode<synchronous>, transform_indices = @transform_3, window_bounds = array<i64: 157, 157>}, {transform_indices = @transform_4, window_bounds = array<i64: 1, 32, 32>}]} {
    %get3A = arith.constant 0 : index
    %get3A_0 = arith.constant 0 : index
    %get3A_1 = arith.constant 0 : index
    %get3A_2 = arith.constant 0 : index
    %get3A_3 = vector.load %arg2[%get3A, %get3A_0, %get3A_1, %get3A_2] : memref<1x3x157x128xf32, #tpu.memory_space<vmem>>, vector<1x1x157x128xf32>
    %get3A_4 = vector.shape_cast %get3A_3 : vector<1x1x157x128xf32> to vector<157x128xf32>
    %get3A_5 = arith.constant 0 : index
    %get3A_6 = arith.constant 1 : index
    %get3A_7 = arith.constant 0 : index
    %get3A_8 = arith.constant 0 : index
    %get3A_9 = vector.load %arg2[%get3A_5, %get3A_6, %get3A_7, %get3A_8] : memref<1x3x157x128xf32, #tpu.memory_space<vmem>>, vector<1x1x157x128xf32>
    %get3A_10 = vector.shape_cast %get3A_9 : vector<1x1x157x128xf32> to vector<157x128xf32>
    %get3A_11 = arith.constant 0 : index
    %get3A_12 = arith.constant 2 : index
    %get3A_13 = arith.constant 0 : index
    %get3A_14 = arith.constant 0 : index
    %get3A_15 = vector.load %arg2[%get3A_11, %get3A_12, %get3A_13, %get3A_14] : memref<1x3x157x128xf32, #tpu.memory_space<vmem>>, vector<1x1x157x128xf32>
    %get3A_16 = vector.shape_cast %get3A_15 : vector<1x1x157x128xf32> to vector<157x128xf32>
    %get3A_17 = arith.constant 0 : index
    %get3A_18 = arith.constant 0 : index
    %get3A_19 = arith.constant 0 : index
    %get3A_20 = arith.constant 0 : index
    %get3A_21 = arith.constant 0 : index
    %get3A_22 = vector.load %arg3[%get3A_17, %get3A_18, %get3A_19, %get3A_20, %get3A_21] : memref<1x3x1x1x32xf32, #tpu.memory_space<vmem>>, vector<1x1x1x1x32xf32>
    %get3A_23 = vector.shape_cast %get3A_22 : vector<1x1x1x1x32xf32> to vector<32xf32>
    %reshape3A = vector.shape_cast %get3A_23 : vector<32xf32> to vector<32x1x1xf32>
    %get3A_24 = arith.constant 0 : index
    %get3A_25 = arith.constant 1 : index
    %get3A_26 = arith.constant 0 : index
    %get3A_27 = arith.constant 0 : index
    %get3A_28 = arith.constant 0 : index
    %get3A_29 = vector.load %arg3[%get3A_24, %get3A_25, %get3A_26, %get3A_27, %get3A_28] : memref<1x3x1x1x32xf32, #tpu.memory_space<vmem>>, vector<1x1x1x1x32xf32>
    %get3A_30 = vector.shape_cast %get3A_29 : vector<1x1x1x1x32xf32> to vector<32xf32>
    %reshape3A_31 = vector.shape_cast %get3A_30 : vector<32xf32> to vector<32x1x1xf32>
    %get3A_32 = arith.constant 0 : index
    %get3A_33 = arith.constant 2 : index
    %get3A_34 = arith.constant 0 : index
    %get3A_35 = arith.constant 0 : index
    %get3A_36 = arith.constant 0 : index
    %get3A_37 = vector.load %arg3[%get3A_32, %get3A_33, %get3A_34, %get3A_35, %get3A_36] : memref<1x3x1x1x32xf32, #tpu.memory_space<vmem>>, vector<1x1x1x1x32xf32>
    %get3A_38 = vector.shape_cast %get3A_37 : vector<1x1x1x1x32xf32> to vector<32xf32>
    %reshape3A_39 = vector.shape_cast %get3A_38 : vector<32xf32> to vector<32x1x1xf32>
    %mul3A = arith.mulf %get3A_4, %get3A_4 : vector<157x128xf32>
    %mul3A_40 = arith.mulf %get3A_10, %get3A_10 : vector<157x128xf32>
    %add3A = arith.addf %mul3A, %mul3A_40 : vector<157x128xf32>
    %mul3A_41 = arith.mulf %get3A_16, %get3A_16 : vector<157x128xf32>
    %add3A_42 = arith.addf %add3A, %mul3A_41 : vector<157x128xf32>
    %mul3A_43 = arith.mulf %reshape3A, %reshape3A : vector<32x1x1xf32>
    %mul3A_44 = arith.mulf %reshape3A_31, %reshape3A_31 : vector<32x1x1xf32>
    %add3A_45 = arith.addf %mul3A_43, %mul3A_44 : vector<32x1x1xf32>
    %mul3A_46 = arith.mulf %reshape3A_39, %reshape3A_39 : vector<32x1x1xf32>
    %add3A_47 = arith.addf %add3A_45, %mul3A_46 : vector<32x1x1xf32>
    %convert_element_type3A = arith.truncf %get3A_4 : vector<157x128xf32> to vector<157x128xbf16>
    %convert_element_type3A_48 = arith.extf %convert_element_type3A : vector<157x128xbf16> to vector<157x128xf32>
    %convert_element_type3A_49 = arith.truncf %get3A_10 : vector<157x128xf32> to vector<157x128xbf16>
    %convert_element_type3A_50 = arith.extf %convert_element_type3A_49 : vector<157x128xbf16> to vector<157x128xf32>
    %convert_element_type3A_51 = arith.truncf %get3A_16 : vector<157x128xf32> to vector<157x128xbf16>
    %convert_element_type3A_52 = arith.extf %convert_element_type3A_51 : vector<157x128xbf16> to vector<157x128xf32>
    %convert_element_type3A_53 = arith.truncf %reshape3A : vector<32x1x1xf32> to vector<32x1x1xbf16>
    %convert_element_type3A_54 = arith.extf %convert_element_type3A_53 : vector<32x1x1xbf16> to vector<32x1x1xf32>
    %convert_element_type3A_55 = arith.truncf %reshape3A_31 : vector<32x1x1xf32> to vector<32x1x1xbf16>
    %convert_element_type3A_56 = arith.extf %convert_element_type3A_55 : vector<32x1x1xbf16> to vector<32x1x1xf32>
    %convert_element_type3A_57 = arith.truncf %reshape3A_39 : vector<32x1x1xf32> to vector<32x1x1xbf16>
    %convert_element_type3A_58 = arith.extf %convert_element_type3A_57 : vector<32x1x1xbf16> to vector<32x1x1xf32>
    %broadcast_in_dim3A = vector.shape_cast %convert_element_type3A_48 : vector<157x128xf32> to vector<1x157x128xf32>
    %mul3A_59 = vector.broadcast %broadcast_in_dim3A : vector<1x157x128xf32> to vector<32x157x128xf32>
    %mul3A_60 = vector.broadcast %convert_element_type3A_54 : vector<32x1x1xf32> to vector<32x157x128xf32>
    %mul3A_61 = arith.mulf %mul3A_59, %mul3A_60 : vector<32x157x128xf32>
    %broadcast_in_dim3A_62 = vector.shape_cast %convert_element_type3A_50 : vector<157x128xf32> to vector<1x157x128xf32>
    %mul3A_63 = vector.broadcast %broadcast_in_dim3A_62 : vector<1x157x128xf32> to vector<32x157x128xf32>
    %mul3A_64 = vector.broadcast %convert_element_type3A_56 : vector<32x1x1xf32> to vector<32x157x128xf32>
    %mul3A_65 = arith.mulf %mul3A_63, %mul3A_64 : vector<32x157x128xf32>
    %add3A_66 = arith.addf %mul3A_61, %mul3A_65 : vector<32x157x128xf32>
    %broadcast_in_dim3A_67 = vector.shape_cast %convert_element_type3A_52 : vector<157x128xf32> to vector<1x157x128xf32>
    %mul3A_68 = vector.broadcast %broadcast_in_dim3A_67 : vector<1x157x128xf32> to vector<32x157x128xf32>
    %mul3A_69 = vector.broadcast %convert_element_type3A_58 : vector<32x1x1xf32> to vector<32x157x128xf32>
    %mul3A_70 = arith.mulf %mul3A_68, %mul3A_69 : vector<32x157x128xf32>
    %add3A_71 = arith.addf %add3A_66, %mul3A_70 : vector<32x157x128xf32>
    %broadcast_in_dim3A_72 = vector.shape_cast %add3A_42 : vector<157x128xf32> to vector<1x157x128xf32>
    %add3A_73 = vector.broadcast %add3A_47 : vector<32x1x1xf32> to vector<32x157x128xf32>
    %add3A_74 = vector.broadcast %broadcast_in_dim3A_72 : vector<1x157x128xf32> to vector<32x157x128xf32>
    %add3A_75 = arith.addf %add3A_73, %add3A_74 : vector<32x157x128xf32>
    %mul3A_76 = arith.constant 2.000000e+00 : f32
    %mul3A_77 = vector.broadcast %mul3A_76 : f32 to vector<32x157x128xf32>
    %mul3A_78 = arith.mulf %mul3A_77, %add3A_71 : vector<32x157x128xf32>
    %sub3A = arith.subf %add3A_75, %mul3A_78 : vector<32x157x128xf32>
    %iota3A = tpu.iota {dimensions = array<i32: 1>} : vector<32x157x128xi32>
    %iota3A_79 = tpu.iota {dimensions = array<i32: 2>} : vector<32x157x128xi32>
    %mul3A_80 = arith.constant 128 : i32
    %mul3A_81 = vector.broadcast %mul3A_80 : i32 to vector<32x157x128xi32>
    %mul3A_82 = arith.muli %iota3A, %mul3A_81 : vector<32x157x128xi32>
    %add3A_83 = arith.addi %mul3A_82, %iota3A_79 : vector<32x157x128xi32>
    %lt3A = arith.constant 4.000000e-02 : f32
    %lt3A_84 = vector.broadcast %lt3A : f32 to vector<32x157x128xf32>
    %lt3A_85 = arith.cmpf olt, %sub3A, %lt3A_84 : vector<32x157x128xf32>
    %lt3A_86 = arith.constant 20000 : i32
    %lt3A_87 = vector.broadcast %lt3A_86 : i32 to vector<32x157x128xi32>
    %lt3A_88 = arith.cmpi slt, %add3A_83, %lt3A_87 : vector<32x157x128xi32>
    %and3A = arith.andi %lt3A_85, %lt3A_88 : vector<32x157x128xi1>
    %convert_element_type3A_89 = arith.extui %and3A : vector<32x157x128xi1> to vector<32x157x128xi32>
    %convert_element_type3A_90 = arith.sitofp %convert_element_type3A_89 : vector<32x157x128xi32> to vector<32x157x128xf32>
    %reshape3A_91 = vector.shape_cast %convert_element_type3A_90 : vector<32x157x128xf32> to vector<5024x128xf32>
    %get3A_92 = arith.constant 0 : index
    %get3A_93 = arith.constant 0 : index
    %get3A_94 = vector.load %arg4[%get3A_92, %get3A_93] : memref<128x128xf32, #tpu.memory_space<vmem>>, vector<128x128xf32>
    %dot_general3A = arith.constant dense<0.000000e+00> : vector<5024x128xf32>
    %dot_general3A_95 = tpu.matmul %reshape3A_91, %get3A_94, %dot_general3A {dimension_numbers = #tpu.dot_dimension_numbers<[1], [0], [0], [1], [0, 0, 1, 1], [], []>, transpose_lhs_hint = false} : vector<5024x128xf32>, vector<128x128xf32>, vector<5024x128xf32> -> vector<5024x128xf32>
    %reshape3A_96 = vector.shape_cast %dot_general3A_95 : vector<5024x128xf32> to vector<32x157x128xf32>
    %reduce_sum3A = arith.constant dense<0.000000e+00> : vector<32x157xf32>
    %reduce_sum3A_97 = vector.multi_reduction <add>, %convert_element_type3A_90, %reduce_sum3A [2] : vector<32x157x128xf32> to vector<32x157xf32>
    %get3A_98 = arith.constant 0 : index
    %get3A_99 = arith.constant 0 : index
    %get3A_100 = vector.load %arg5[%get3A_98, %get3A_99] : memref<157x157xf32, #tpu.memory_space<vmem>>, vector<157x157xf32>
    %dot_general3A_101 = arith.constant dense<0.000000e+00> : vector<32x157xf32>
    %dot_general3A_102 = tpu.matmul %reduce_sum3A_97, %get3A_100, %dot_general3A_101 {dimension_numbers = #tpu.dot_dimension_numbers<[1], [0], [0], [1], [0, 0, 1, 1], [], []>, transpose_lhs_hint = false} : vector<32x157xf32>, vector<157x157xf32>, vector<32x157xf32> -> vector<32x157xf32>
    %sub3A_103 = arith.subf %reshape3A_96, %convert_element_type3A_90 : vector<32x157x128xf32>
    %broadcast_in_dim3A_104 = vector.shape_cast %dot_general3A_102 : vector<32x157xf32> to vector<32x157x1xf32>
    %add3A_105 = vector.broadcast %broadcast_in_dim3A_104 : vector<32x157x1xf32> to vector<32x157x128xf32>
    %add3A_106 = arith.addf %sub3A_103, %add3A_105 : vector<32x157x128xf32>
    %jit3A = arith.constant 4.000000e+04 : f32
    %broadcast_in_dim3A_107 = vector.broadcast %jit3A : f32 to vector<32x157x128xf32>
    %select_n3A = arith.select %and3A, %add3A_106, %broadcast_in_dim3A_107 : vector<32x157x128xi1>, vector<32x157x128xf32>
    %reduce_sum3A_108 = arith.constant dense<0.000000e+00> : vector<32xf32>
    %reduce_sum3A_109 = vector.multi_reduction <add>, %reduce_sum3A_97, %reduce_sum3A_108 [1] : vector<32x157xf32> to vector<32xf32>
    %broadcast_in_dim3A_110 = vector.shape_cast %reduce_sum3A_109 : vector<32xf32> to vector<32x1xf32>
    %convert_element_type3A_111 = arith.sitofp %add3A_83 : vector<32x157x128xi32> to vector<32x157x128xf32>
    %iota3A_112 = tpu.iota {dimensions = array<i32: 1>} : vector<32x32xi32>
    %broadcast_in_dim3A_113 = arith.constant 0.000000e+00 : f32
    %broadcast_in_dim3A_114 = vector.broadcast %broadcast_in_dim3A_113 : f32 to vector<32x32xf32>
    %eq3A = arith.constant 0.000000e+00 : f32
    %eq3A_115 = vector.broadcast %eq3A : f32 to vector<32x157x128xf32>
    %eq3A_116 = arith.cmpf oeq, %select_n3A, %eq3A_115 : vector<32x157x128xf32>
    %jit3A_117 = arith.constant 0.000000e+00 : f32
    %broadcast_in_dim3A_118 = vector.broadcast %jit3A_117 : f32 to vector<32x157x128xf32>
    %select_n3A_119 = arith.select %eq3A_116, %convert_element_type3A_111, %broadcast_in_dim3A_118 : vector<32x157x128xi1>, vector<32x157x128xf32>
    %reduce_sum3A_120 = arith.constant dense<0.000000e+00> : vector<32xf32>
    %reduce_sum3A_121 = vector.multi_reduction <add>, %select_n3A_119, %reduce_sum3A_120 [1, 2] : vector<32x157x128xf32> to vector<32xf32>
    %broadcast_in_dim3A_122 = vector.shape_cast %reduce_sum3A_121 : vector<32xf32> to vector<32x1x1xf32>
    %eq3A_123 = arith.constant 0 : i32
    %eq3A_124 = vector.broadcast %eq3A_123 : i32 to vector<32x32xi32>
    %eq3A_125 = arith.cmpi eq, %iota3A_112, %eq3A_124 : vector<32x32xi32>
    %squeeze3A = vector.shape_cast %broadcast_in_dim3A_122 : vector<32x1x1xf32> to vector<32x1xf32>
    %broadcast_in_dim3A_126 = vector.shape_cast %squeeze3A : vector<32x1xf32> to vector<32x1xf32>
    %broadcast_in_dim3A_127 = vector.broadcast %broadcast_in_dim3A_126 : vector<32x1xf32> to vector<32x32xf32>
    %select_n3A_128 = arith.select %eq3A_125, %broadcast_in_dim3A_127, %broadcast_in_dim3A_114 : vector<32x32xi1>, vector<32x32xf32>
    %eq3A_129 = arith.constant 1.000000e+00 : f32
    %eq3A_130 = vector.broadcast %eq3A_129 : f32 to vector<32x157x128xf32>
    %eq3A_131 = arith.cmpf oeq, %select_n3A, %eq3A_130 : vector<32x157x128xf32>
    %jit3A_132 = arith.constant 0.000000e+00 : f32
    %broadcast_in_dim3A_133 = vector.broadcast %jit3A_132 : f32 to vector<32x157x128xf32>
    %select_n3A_134 = arith.select %eq3A_131, %convert_element_type3A_111, %broadcast_in_dim3A_133 : vector<32x157x128xi1>, vector<32x157x128xf32>
    %reduce_sum3A_135 = arith.constant dense<0.000000e+00> : vector<32xf32>
    %reduce_sum3A_136 = vector.multi_reduction <add>, %select_n3A_134, %reduce_sum3A_135 [1, 2] : vector<32x157x128xf32> to vector<32xf32>
    %broadcast_in_dim3A_137 = vector.shape_cast %reduce_sum3A_136 : vector<32xf32> to vector<32x1x1xf32>
    %eq3A_138 = arith.constant 1 : i32
    %eq3A_139 = vector.broadcast %eq3A_138 : i32 to vector<32x32xi32>
    %eq3A_140 = arith.cmpi eq, %iota3A_112, %eq3A_139 : vector<32x32xi32>
    %squeeze3A_141 = vector.shape_cast %broadcast_in_dim3A_137 : vector<32x1x1xf32> to vector<32x1xf32>
    %broadcast_in_dim3A_142 = vector.shape_cast %squeeze3A_141 : vector<32x1xf32> to vector<32x1xf32>
    %broadcast_in_dim3A_143 = vector.broadcast %broadcast_in_dim3A_142 : vector<32x1xf32> to vector<32x32xf32>
    %select_n3A_144 = arith.select %eq3A_140, %broadcast_in_dim3A_143, %select_n3A_128 : vector<32x32xi1>, vector<32x32xf32>
    %eq3A_145 = arith.constant 2.000000e+00 : f32
    %eq3A_146 = vector.broadcast %eq3A_145 : f32 to vector<32x157x128xf32>
    %eq3A_147 = arith.cmpf oeq, %select_n3A, %eq3A_146 : vector<32x157x128xf32>
    %jit3A_148 = arith.constant 0.000000e+00 : f32
    %broadcast_in_dim3A_149 = vector.broadcast %jit3A_148 : f32 to vector<32x157x128xf32>
    %select_n3A_150 = arith.select %eq3A_147, %convert_element_type3A_111, %broadcast_in_dim3A_149 : vector<32x157x128xi1>, vector<32x157x128xf32>
    %reduce_sum3A_151 = arith.constant dense<0.000000e+00> : vector<32xf32>
    %reduce_sum3A_152 = vector.multi_reduction <add>, %select_n3A_150, %reduce_sum3A_151 [1, 2] : vector<32x157x128xf32> to vector<32xf32>
    %broadcast_in_dim3A_153 = vector.shape_cast %reduce_sum3A_152 : vector<32xf32> to vector<32x1x1xf32>
    %eq3A_154 = arith.constant 2 : i32
    %eq3A_155 = vector.broadcast %eq3A_154 : i32 to vector<32x32xi32>
    %eq3A_156 = arith.cmpi eq, %iota3A_112, %eq3A_155 : vector<32x32xi32>
    %squeeze3A_157 = vector.shape_cast %broadcast_in_dim3A_153 : vector<32x1x1xf32> to vector<32x1xf32>
    %broadcast_in_dim3A_158 = vector.shape_cast %squeeze3A_157 : vector<32x1xf32> to vector<32x1xf32>
    %broadcast_in_dim3A_159 = vector.broadcast %broadcast_in_dim3A_158 : vector<32x1xf32> to vector<32x32xf32>
    %select_n3A_160 = arith.select %eq3A_156, %broadcast_in_dim3A_159, %select_n3A_144 : vector<32x32xi1>, vector<32x32xf32>
    %eq3A_161 = arith.constant 3.000000e+00 : f32
    %eq3A_162 = vector.broadcast %eq3A_161 : f32 to vector<32x157x128xf32>
    %eq3A_163 = arith.cmpf oeq, %select_n3A, %eq3A_162 : vector<32x157x128xf32>
    %jit3A_164 = arith.constant 0.000000e+00 : f32
    %broadcast_in_dim3A_165 = vector.broadcast %jit3A_164 : f32 to vector<32x157x128xf32>
    %select_n3A_166 = arith.select %eq3A_163, %convert_element_type3A_111, %broadcast_in_dim3A_165 : vector<32x157x128xi1>, vector<32x157x128xf32>
    %reduce_sum3A_167 = arith.constant dense<0.000000e+00> : vector<32xf32>
    %reduce_sum3A_168 = vector.multi_reduction <add>, %select_n3A_166, %reduce_sum3A_167 [1, 2] : vector<32x157x128xf32> to vector<32xf32>
    %broadcast_in_dim3A_169 = vector.shape_cast %reduce_sum3A_168 : vector<32xf32> to vector<32x1x1xf32>
    %eq3A_170 = arith.constant 3 : i32
    %eq3A_171 = vector.broadcast %eq3A_170 : i32 to vector<32x32xi32>
    %eq3A_172 = arith.cmpi eq, %iota3A_112, %eq3A_171 : vector<32x32xi32>
    %squeeze3A_173 = vector.shape_cast %broadcast_in_dim3A_169 : vector<32x1x1xf32> to vector<32x1xf32>
    %broadcast_in_dim3A_174 = vector.shape_cast %squeeze3A_173 : vector<32x1xf32> to vector<32x1xf32>
    %broadcast_in_dim3A_175 = vector.broadcast %broadcast_in_dim3A_174 : vector<32x1xf32> to vector<32x32xf32>
    %select_n3A_176 = arith.select %eq3A_172, %broadcast_in_dim3A_175, %select_n3A_160 : vector<32x32xi1>, vector<32x32xf32>
    %eq3A_177 = arith.constant 4.000000e+00 : f32
    %eq3A_178 = vector.broadcast %eq3A_177 : f32 to vector<32x157x128xf32>
    %eq3A_179 = arith.cmpf oeq, %select_n3A, %eq3A_178 : vector<32x157x128xf32>
    %jit3A_180 = arith.constant 0.000000e+00 : f32
    %broadcast_in_dim3A_181 = vector.broadcast %jit3A_180 : f32 to vector<32x157x128xf32>
    %select_n3A_182 = arith.select %eq3A_179, %convert_element_type3A_111, %broadcast_in_dim3A_181 : vector<32x157x128xi1>, vector<32x157x128xf32>
    %reduce_sum3A_183 = arith.constant dense<0.000000e+00> : vector<32xf32>
    %reduce_sum3A_184 = vector.multi_reduction <add>, %select_n3A_182, %reduce_sum3A_183 [1, 2] : vector<32x157x128xf32> to vector<32xf32>
    %broadcast_in_dim3A_185 = vector.shape_cast %reduce_sum3A_184 : vector<32xf32> to vector<32x1x1xf32>
    %eq3A_186 = arith.constant 4 : i32
    %eq3A_187 = vector.broadcast %eq3A_186 : i32 to vector<32x32xi32>
    %eq3A_188 = arith.cmpi eq, %iota3A_112, %eq3A_187 : vector<32x32xi32>
    %squeeze3A_189 = vector.shape_cast %broadcast_in_dim3A_185 : vector<32x1x1xf32> to vector<32x1xf32>
    %broadcast_in_dim3A_190 = vector.shape_cast %squeeze3A_189 : vector<32x1xf32> to vector<32x1xf32>
    %broadcast_in_dim3A_191 = vector.broadcast %broadcast_in_dim3A_190 : vector<32x1xf32> to vector<32x32xf32>
    %select_n3A_192 = arith.select %eq3A_188, %broadcast_in_dim3A_191, %select_n3A_176 : vector<32x32xi1>, vector<32x32xf32>
    %eq3A_193 = arith.constant 5.000000e+00 : f32
    %eq3A_194 = vector.broadcast %eq3A_193 : f32 to vector<32x157x128xf32>
    %eq3A_195 = arith.cmpf oeq, %select_n3A, %eq3A_194 : vector<32x157x128xf32>
    %jit3A_196 = arith.constant 0.000000e+00 : f32
    %broadcast_in_dim3A_197 = vector.broadcast %jit3A_196 : f32 to vector<32x157x128xf32>
    %select_n3A_198 = arith.select %eq3A_195, %convert_element_type3A_111, %broadcast_in_dim3A_197 : vector<32x157x128xi1>, vector<32x157x128xf32>
    %reduce_sum3A_199 = arith.constant dense<0.000000e+00> : vector<32xf32>
    %reduce_sum3A_200 = vector.multi_reduction <add>, %select_n3A_198, %reduce_sum3A_199 [1, 2] : vector<32x157x128xf32> to vector<32xf32>
    %broadcast_in_dim3A_201 = vector.shape_cast %reduce_sum3A_200 : vector<32xf32> to vector<32x1x1xf32>
    %eq3A_202 = arith.constant 5 : i32
    %eq3A_203 = vector.broadcast %eq3A_202 : i32 to vector<32x32xi32>
    %eq3A_204 = arith.cmpi eq, %iota3A_112, %eq3A_203 : vector<32x32xi32>
    %squeeze3A_205 = vector.shape_cast %broadcast_in_dim3A_201 : vector<32x1x1xf32> to vector<32x1xf32>
    %broadcast_in_dim3A_206 = vector.shape_cast %squeeze3A_205 : vector<32x1xf32> to vector<32x1xf32>
    %broadcast_in_dim3A_207 = vector.broadcast %broadcast_in_dim3A_206 : vector<32x1xf32> to vector<32x32xf32>
    %select_n3A_208 = arith.select %eq3A_204, %broadcast_in_dim3A_207, %select_n3A_192 : vector<32x32xi1>, vector<32x32xf32>
    %eq3A_209 = arith.constant 6.000000e+00 : f32
    %eq3A_210 = vector.broadcast %eq3A_209 : f32 to vector<32x157x128xf32>
    %eq3A_211 = arith.cmpf oeq, %select_n3A, %eq3A_210 : vector<32x157x128xf32>
    %jit3A_212 = arith.constant 0.000000e+00 : f32
    %broadcast_in_dim3A_213 = vector.broadcast %jit3A_212 : f32 to vector<32x157x128xf32>
    %select_n3A_214 = arith.select %eq3A_211, %convert_element_type3A_111, %broadcast_in_dim3A_213 : vector<32x157x128xi1>, vector<32x157x128xf32>
    %reduce_sum3A_215 = arith.constant dense<0.000000e+00> : vector<32xf32>
    %reduce_sum3A_216 = vector.multi_reduction <add>, %select_n3A_214, %reduce_sum3A_215 [1, 2] : vector<32x157x128xf32> to vector<32xf32>
    %broadcast_in_dim3A_217 = vector.shape_cast %reduce_sum3A_216 : vector<32xf32> to vector<32x1x1xf32>
    %eq3A_218 = arith.constant 6 : i32
    %eq3A_219 = vector.broadcast %eq3A_218 : i32 to vector<32x32xi32>
    %eq3A_220 = arith.cmpi eq, %iota3A_112, %eq3A_219 : vector<32x32xi32>
    %squeeze3A_221 = vector.shape_cast %broadcast_in_dim3A_217 : vector<32x1x1xf32> to vector<32x1xf32>
    %broadcast_in_dim3A_222 = vector.shape_cast %squeeze3A_221 : vector<32x1xf32> to vector<32x1xf32>
    %broadcast_in_dim3A_223 = vector.broadcast %broadcast_in_dim3A_222 : vector<32x1xf32> to vector<32x32xf32>
    %select_n3A_224 = arith.select %eq3A_220, %broadcast_in_dim3A_223, %select_n3A_208 : vector<32x32xi1>, vector<32x32xf32>
    %eq3A_225 = arith.constant 7.000000e+00 : f32
    %eq3A_226 = vector.broadcast %eq3A_225 : f32 to vector<32x157x128xf32>
    %eq3A_227 = arith.cmpf oeq, %select_n3A, %eq3A_226 : vector<32x157x128xf32>
    %jit3A_228 = arith.constant 0.000000e+00 : f32
    %broadcast_in_dim3A_229 = vector.broadcast %jit3A_228 : f32 to vector<32x157x128xf32>
    %select_n3A_230 = arith.select %eq3A_227, %convert_element_type3A_111, %broadcast_in_dim3A_229 : vector<32x157x128xi1>, vector<32x157x128xf32>
    %reduce_sum3A_231 = arith.constant dense<0.000000e+00> : vector<32xf32>
    %reduce_sum3A_232 = vector.multi_reduction <add>, %select_n3A_230, %reduce_sum3A_231 [1, 2] : vector<32x157x128xf32> to vector<32xf32>
    %broadcast_in_dim3A_233 = vector.shape_cast %reduce_sum3A_232 : vector<32xf32> to vector<32x1x1xf32>
    %eq3A_234 = arith.constant 7 : i32
    %eq3A_235 = vector.broadcast %eq3A_234 : i32 to vector<32x32xi32>
    %eq3A_236 = arith.cmpi eq, %iota3A_112, %eq3A_235 : vector<32x32xi32>
    %squeeze3A_237 = vector.shape_cast %broadcast_in_dim3A_233 : vector<32x1x1xf32> to vector<32x1xf32>
    %broadcast_in_dim3A_238 = vector.shape_cast %squeeze3A_237 : vector<32x1xf32> to vector<32x1xf32>
    %broadcast_in_dim3A_239 = vector.broadcast %broadcast_in_dim3A_238 : vector<32x1xf32> to vector<32x32xf32>
    %select_n3A_240 = arith.select %eq3A_236, %broadcast_in_dim3A_239, %select_n3A_224 : vector<32x32xi1>, vector<32x32xf32>
    %eq3A_241 = arith.constant 8.000000e+00 : f32
    %eq3A_242 = vector.broadcast %eq3A_241 : f32 to vector<32x157x128xf32>
    %eq3A_243 = arith.cmpf oeq, %select_n3A, %eq3A_242 : vector<32x157x128xf32>
    %jit3A_244 = arith.constant 0.000000e+00 : f32
    %broadcast_in_dim3A_245 = vector.broadcast %jit3A_244 : f32 to vector<32x157x128xf32>
    %select_n3A_246 = arith.select %eq3A_243, %convert_element_type3A_111, %broadcast_in_dim3A_245 : vector<32x157x128xi1>, vector<32x157x128xf32>
    %reduce_sum3A_247 = arith.constant dense<0.000000e+00> : vector<32xf32>
    %reduce_sum3A_248 = vector.multi_reduction <add>, %select_n3A_246, %reduce_sum3A_247 [1, 2] : vector<32x157x128xf32> to vector<32xf32>
    %broadcast_in_dim3A_249 = vector.shape_cast %reduce_sum3A_248 : vector<32xf32> to vector<32x1x1xf32>
    %eq3A_250 = arith.constant 8 : i32
    %eq3A_251 = vector.broadcast %eq3A_250 : i32 to vector<32x32xi32>
    %eq3A_252 = arith.cmpi eq, %iota3A_112, %eq3A_251 : vector<32x32xi32>
    %squeeze3A_253 = vector.shape_cast %broadcast_in_dim3A_249 : vector<32x1x1xf32> to vector<32x1xf32>
    %broadcast_in_dim3A_254 = vector.shape_cast %squeeze3A_253 : vector<32x1xf32> to vector<32x1xf32>
    %broadcast_in_dim3A_255 = vector.broadcast %broadcast_in_dim3A_254 : vector<32x1xf32> to vector<32x32xf32>
    %select_n3A_256 = arith.select %eq3A_252, %broadcast_in_dim3A_255, %select_n3A_240 : vector<32x32xi1>, vector<32x32xf32>
    %eq3A_257 = arith.constant 9.000000e+00 : f32
    %eq3A_258 = vector.broadcast %eq3A_257 : f32 to vector<32x157x128xf32>
    %eq3A_259 = arith.cmpf oeq, %select_n3A, %eq3A_258 : vector<32x157x128xf32>
    %jit3A_260 = arith.constant 0.000000e+00 : f32
    %broadcast_in_dim3A_261 = vector.broadcast %jit3A_260 : f32 to vector<32x157x128xf32>
    %select_n3A_262 = arith.select %eq3A_259, %convert_element_type3A_111, %broadcast_in_dim3A_261 : vector<32x157x128xi1>, vector<32x157x128xf32>
    %reduce_sum3A_263 = arith.constant dense<0.000000e+00> : vector<32xf32>
    %reduce_sum3A_264 = vector.multi_reduction <add>, %select_n3A_262, %reduce_sum3A_263 [1, 2] : vector<32x157x128xf32> to vector<32xf32>
    %broadcast_in_dim3A_265 = vector.shape_cast %reduce_sum3A_264 : vector<32xf32> to vector<32x1x1xf32>
    %eq3A_266 = arith.constant 9 : i32
    %eq3A_267 = vector.broadcast %eq3A_266 : i32 to vector<32x32xi32>
    %eq3A_268 = arith.cmpi eq, %iota3A_112, %eq3A_267 : vector<32x32xi32>
    %squeeze3A_269 = vector.shape_cast %broadcast_in_dim3A_265 : vector<32x1x1xf32> to vector<32x1xf32>
    %broadcast_in_dim3A_270 = vector.shape_cast %squeeze3A_269 : vector<32x1xf32> to vector<32x1xf32>
    %broadcast_in_dim3A_271 = vector.broadcast %broadcast_in_dim3A_270 : vector<32x1xf32> to vector<32x32xf32>
    %select_n3A_272 = arith.select %eq3A_268, %broadcast_in_dim3A_271, %select_n3A_256 : vector<32x32xi1>, vector<32x32xf32>
    %eq3A_273 = arith.constant 1.000000e+01 : f32
    %eq3A_274 = vector.broadcast %eq3A_273 : f32 to vector<32x157x128xf32>
    %eq3A_275 = arith.cmpf oeq, %select_n3A, %eq3A_274 : vector<32x157x128xf32>
    %jit3A_276 = arith.constant 0.000000e+00 : f32
    %broadcast_in_dim3A_277 = vector.broadcast %jit3A_276 : f32 to vector<32x157x128xf32>
    %select_n3A_278 = arith.select %eq3A_275, %convert_element_type3A_111, %broadcast_in_dim3A_277 : vector<32x157x128xi1>, vector<32x157x128xf32>
    %reduce_sum3A_279 = arith.constant dense<0.000000e+00> : vector<32xf32>
    %reduce_sum3A_280 = vector.multi_reduction <add>, %select_n3A_278, %reduce_sum3A_279 [1, 2] : vector<32x157x128xf32> to vector<32xf32>
    %broadcast_in_dim3A_281 = vector.shape_cast %reduce_sum3A_280 : vector<32xf32> to vector<32x1x1xf32>
    %eq3A_282 = arith.constant 10 : i32
    %eq3A_283 = vector.broadcast %eq3A_282 : i32 to vector<32x32xi32>
    %eq3A_284 = arith.cmpi eq, %iota3A_112, %eq3A_283 : vector<32x32xi32>
    %squeeze3A_285 = vector.shape_cast %broadcast_in_dim3A_281 : vector<32x1x1xf32> to vector<32x1xf32>
    %broadcast_in_dim3A_286 = vector.shape_cast %squeeze3A_285 : vector<32x1xf32> to vector<32x1xf32>
    %broadcast_in_dim3A_287 = vector.broadcast %broadcast_in_dim3A_286 : vector<32x1xf32> to vector<32x32xf32>
    %select_n3A_288 = arith.select %eq3A_284, %broadcast_in_dim3A_287, %select_n3A_272 : vector<32x32xi1>, vector<32x32xf32>
    %eq3A_289 = arith.constant 1.100000e+01 : f32
    %eq3A_290 = vector.broadcast %eq3A_289 : f32 to vector<32x157x128xf32>
    %eq3A_291 = arith.cmpf oeq, %select_n3A, %eq3A_290 : vector<32x157x128xf32>
    %jit3A_292 = arith.constant 0.000000e+00 : f32
    %broadcast_in_dim3A_293 = vector.broadcast %jit3A_292 : f32 to vector<32x157x128xf32>
    %select_n3A_294 = arith.select %eq3A_291, %convert_element_type3A_111, %broadcast_in_dim3A_293 : vector<32x157x128xi1>, vector<32x157x128xf32>
    %reduce_sum3A_295 = arith.constant dense<0.000000e+00> : vector<32xf32>
    %reduce_sum3A_296 = vector.multi_reduction <add>, %select_n3A_294, %reduce_sum3A_295 [1, 2] : vector<32x157x128xf32> to vector<32xf32>
    %broadcast_in_dim3A_297 = vector.shape_cast %reduce_sum3A_296 : vector<32xf32> to vector<32x1x1xf32>
    %eq3A_298 = arith.constant 11 : i32
    %eq3A_299 = vector.broadcast %eq3A_298 : i32 to vector<32x32xi32>
    %eq3A_300 = arith.cmpi eq, %iota3A_112, %eq3A_299 : vector<32x32xi32>
    %squeeze3A_301 = vector.shape_cast %broadcast_in_dim3A_297 : vector<32x1x1xf32> to vector<32x1xf32>
    %broadcast_in_dim3A_302 = vector.shape_cast %squeeze3A_301 : vector<32x1xf32> to vector<32x1xf32>
    %broadcast_in_dim3A_303 = vector.broadcast %broadcast_in_dim3A_302 : vector<32x1xf32> to vector<32x32xf32>
    %select_n3A_304 = arith.select %eq3A_300, %broadcast_in_dim3A_303, %select_n3A_288 : vector<32x32xi1>, vector<32x32xf32>
    %eq3A_305 = arith.constant 1.200000e+01 : f32
    %eq3A_306 = vector.broadcast %eq3A_305 : f32 to vector<32x157x128xf32>
    %eq3A_307 = arith.cmpf oeq, %select_n3A, %eq3A_306 : vector<32x157x128xf32>
    %jit3A_308 = arith.constant 0.000000e+00 : f32
    %broadcast_in_dim3A_309 = vector.broadcast %jit3A_308 : f32 to vector<32x157x128xf32>
    %select_n3A_310 = arith.select %eq3A_307, %convert_element_type3A_111, %broadcast_in_dim3A_309 : vector<32x157x128xi1>, vector<32x157x128xf32>
    %reduce_sum3A_311 = arith.constant dense<0.000000e+00> : vector<32xf32>
    %reduce_sum3A_312 = vector.multi_reduction <add>, %select_n3A_310, %reduce_sum3A_311 [1, 2] : vector<32x157x128xf32> to vector<32xf32>
    %broadcast_in_dim3A_313 = vector.shape_cast %reduce_sum3A_312 : vector<32xf32> to vector<32x1x1xf32>
    %eq3A_314 = arith.constant 12 : i32
    %eq3A_315 = vector.broadcast %eq3A_314 : i32 to vector<32x32xi32>
    %eq3A_316 = arith.cmpi eq, %iota3A_112, %eq3A_315 : vector<32x32xi32>
    %squeeze3A_317 = vector.shape_cast %broadcast_in_dim3A_313 : vector<32x1x1xf32> to vector<32x1xf32>
    %broadcast_in_dim3A_318 = vector.shape_cast %squeeze3A_317 : vector<32x1xf32> to vector<32x1xf32>
    %broadcast_in_dim3A_319 = vector.broadcast %broadcast_in_dim3A_318 : vector<32x1xf32> to vector<32x32xf32>
    %select_n3A_320 = arith.select %eq3A_316, %broadcast_in_dim3A_319, %select_n3A_304 : vector<32x32xi1>, vector<32x32xf32>
    %eq3A_321 = arith.constant 1.300000e+01 : f32
    %eq3A_322 = vector.broadcast %eq3A_321 : f32 to vector<32x157x128xf32>
    %eq3A_323 = arith.cmpf oeq, %select_n3A, %eq3A_322 : vector<32x157x128xf32>
    %jit3A_324 = arith.constant 0.000000e+00 : f32
    %broadcast_in_dim3A_325 = vector.broadcast %jit3A_324 : f32 to vector<32x157x128xf32>
    %select_n3A_326 = arith.select %eq3A_323, %convert_element_type3A_111, %broadcast_in_dim3A_325 : vector<32x157x128xi1>, vector<32x157x128xf32>
    %reduce_sum3A_327 = arith.constant dense<0.000000e+00> : vector<32xf32>
    %reduce_sum3A_328 = vector.multi_reduction <add>, %select_n3A_326, %reduce_sum3A_327 [1, 2] : vector<32x157x128xf32> to vector<32xf32>
    %broadcast_in_dim3A_329 = vector.shape_cast %reduce_sum3A_328 : vector<32xf32> to vector<32x1x1xf32>
    %eq3A_330 = arith.constant 13 : i32
    %eq3A_331 = vector.broadcast %eq3A_330 : i32 to vector<32x32xi32>
    %eq3A_332 = arith.cmpi eq, %iota3A_112, %eq3A_331 : vector<32x32xi32>
    %squeeze3A_333 = vector.shape_cast %broadcast_in_dim3A_329 : vector<32x1x1xf32> to vector<32x1xf32>
    %broadcast_in_dim3A_334 = vector.shape_cast %squeeze3A_333 : vector<32x1xf32> to vector<32x1xf32>
    %broadcast_in_dim3A_335 = vector.broadcast %broadcast_in_dim3A_334 : vector<32x1xf32> to vector<32x32xf32>
    %select_n3A_336 = arith.select %eq3A_332, %broadcast_in_dim3A_335, %select_n3A_320 : vector<32x32xi1>, vector<32x32xf32>
    %eq3A_337 = arith.constant 1.400000e+01 : f32
    %eq3A_338 = vector.broadcast %eq3A_337 : f32 to vector<32x157x128xf32>
    %eq3A_339 = arith.cmpf oeq, %select_n3A, %eq3A_338 : vector<32x157x128xf32>
    %jit3A_340 = arith.constant 0.000000e+00 : f32
    %broadcast_in_dim3A_341 = vector.broadcast %jit3A_340 : f32 to vector<32x157x128xf32>
    %select_n3A_342 = arith.select %eq3A_339, %convert_element_type3A_111, %broadcast_in_dim3A_341 : vector<32x157x128xi1>, vector<32x157x128xf32>
    %reduce_sum3A_343 = arith.constant dense<0.000000e+00> : vector<32xf32>
    %reduce_sum3A_344 = vector.multi_reduction <add>, %select_n3A_342, %reduce_sum3A_343 [1, 2] : vector<32x157x128xf32> to vector<32xf32>
    %broadcast_in_dim3A_345 = vector.shape_cast %reduce_sum3A_344 : vector<32xf32> to vector<32x1x1xf32>
    %eq3A_346 = arith.constant 14 : i32
    %eq3A_347 = vector.broadcast %eq3A_346 : i32 to vector<32x32xi32>
    %eq3A_348 = arith.cmpi eq, %iota3A_112, %eq3A_347 : vector<32x32xi32>
    %squeeze3A_349 = vector.shape_cast %broadcast_in_dim3A_345 : vector<32x1x1xf32> to vector<32x1xf32>
    %broadcast_in_dim3A_350 = vector.shape_cast %squeeze3A_349 : vector<32x1xf32> to vector<32x1xf32>
    %broadcast_in_dim3A_351 = vector.broadcast %broadcast_in_dim3A_350 : vector<32x1xf32> to vector<32x32xf32>
    %select_n3A_352 = arith.select %eq3A_348, %broadcast_in_dim3A_351, %select_n3A_336 : vector<32x32xi1>, vector<32x32xf32>
    %eq3A_353 = arith.constant 1.500000e+01 : f32
    %eq3A_354 = vector.broadcast %eq3A_353 : f32 to vector<32x157x128xf32>
    %eq3A_355 = arith.cmpf oeq, %select_n3A, %eq3A_354 : vector<32x157x128xf32>
    %jit3A_356 = arith.constant 0.000000e+00 : f32
    %broadcast_in_dim3A_357 = vector.broadcast %jit3A_356 : f32 to vector<32x157x128xf32>
    %select_n3A_358 = arith.select %eq3A_355, %convert_element_type3A_111, %broadcast_in_dim3A_357 : vector<32x157x128xi1>, vector<32x157x128xf32>
    %reduce_sum3A_359 = arith.constant dense<0.000000e+00> : vector<32xf32>
    %reduce_sum3A_360 = vector.multi_reduction <add>, %select_n3A_358, %reduce_sum3A_359 [1, 2] : vector<32x157x128xf32> to vector<32xf32>
    %broadcast_in_dim3A_361 = vector.shape_cast %reduce_sum3A_360 : vector<32xf32> to vector<32x1x1xf32>
    %eq3A_362 = arith.constant 15 : i32
    %eq3A_363 = vector.broadcast %eq3A_362 : i32 to vector<32x32xi32>
    %eq3A_364 = arith.cmpi eq, %iota3A_112, %eq3A_363 : vector<32x32xi32>
    %squeeze3A_365 = vector.shape_cast %broadcast_in_dim3A_361 : vector<32x1x1xf32> to vector<32x1xf32>
    %broadcast_in_dim3A_366 = vector.shape_cast %squeeze3A_365 : vector<32x1xf32> to vector<32x1xf32>
    %broadcast_in_dim3A_367 = vector.broadcast %broadcast_in_dim3A_366 : vector<32x1xf32> to vector<32x32xf32>
    %select_n3A_368 = arith.select %eq3A_364, %broadcast_in_dim3A_367, %select_n3A_352 : vector<32x32xi1>, vector<32x32xf32>
    %eq3A_369 = arith.constant 1.600000e+01 : f32
    %eq3A_370 = vector.broadcast %eq3A_369 : f32 to vector<32x157x128xf32>
    %eq3A_371 = arith.cmpf oeq, %select_n3A, %eq3A_370 : vector<32x157x128xf32>
    %jit3A_372 = arith.constant 0.000000e+00 : f32
    %broadcast_in_dim3A_373 = vector.broadcast %jit3A_372 : f32 to vector<32x157x128xf32>
    %select_n3A_374 = arith.select %eq3A_371, %convert_element_type3A_111, %broadcast_in_dim3A_373 : vector<32x157x128xi1>, vector<32x157x128xf32>
    %reduce_sum3A_375 = arith.constant dense<0.000000e+00> : vector<32xf32>
    %reduce_sum3A_376 = vector.multi_reduction <add>, %select_n3A_374, %reduce_sum3A_375 [1, 2] : vector<32x157x128xf32> to vector<32xf32>
    %broadcast_in_dim3A_377 = vector.shape_cast %reduce_sum3A_376 : vector<32xf32> to vector<32x1x1xf32>
    %eq3A_378 = arith.constant 16 : i32
    %eq3A_379 = vector.broadcast %eq3A_378 : i32 to vector<32x32xi32>
    %eq3A_380 = arith.cmpi eq, %iota3A_112, %eq3A_379 : vector<32x32xi32>
    %squeeze3A_381 = vector.shape_cast %broadcast_in_dim3A_377 : vector<32x1x1xf32> to vector<32x1xf32>
    %broadcast_in_dim3A_382 = vector.shape_cast %squeeze3A_381 : vector<32x1xf32> to vector<32x1xf32>
    %broadcast_in_dim3A_383 = vector.broadcast %broadcast_in_dim3A_382 : vector<32x1xf32> to vector<32x32xf32>
    %select_n3A_384 = arith.select %eq3A_380, %broadcast_in_dim3A_383, %select_n3A_368 : vector<32x32xi1>, vector<32x32xf32>
    %eq3A_385 = arith.constant 1.700000e+01 : f32
    %eq3A_386 = vector.broadcast %eq3A_385 : f32 to vector<32x157x128xf32>
    %eq3A_387 = arith.cmpf oeq, %select_n3A, %eq3A_386 : vector<32x157x128xf32>
    %jit3A_388 = arith.constant 0.000000e+00 : f32
    %broadcast_in_dim3A_389 = vector.broadcast %jit3A_388 : f32 to vector<32x157x128xf32>
    %select_n3A_390 = arith.select %eq3A_387, %convert_element_type3A_111, %broadcast_in_dim3A_389 : vector<32x157x128xi1>, vector<32x157x128xf32>
    %reduce_sum3A_391 = arith.constant dense<0.000000e+00> : vector<32xf32>
    %reduce_sum3A_392 = vector.multi_reduction <add>, %select_n3A_390, %reduce_sum3A_391 [1, 2] : vector<32x157x128xf32> to vector<32xf32>
    %broadcast_in_dim3A_393 = vector.shape_cast %reduce_sum3A_392 : vector<32xf32> to vector<32x1x1xf32>
    %eq3A_394 = arith.constant 17 : i32
    %eq3A_395 = vector.broadcast %eq3A_394 : i32 to vector<32x32xi32>
    %eq3A_396 = arith.cmpi eq, %iota3A_112, %eq3A_395 : vector<32x32xi32>
    %squeeze3A_397 = vector.shape_cast %broadcast_in_dim3A_393 : vector<32x1x1xf32> to vector<32x1xf32>
    %broadcast_in_dim3A_398 = vector.shape_cast %squeeze3A_397 : vector<32x1xf32> to vector<32x1xf32>
    %broadcast_in_dim3A_399 = vector.broadcast %broadcast_in_dim3A_398 : vector<32x1xf32> to vector<32x32xf32>
    %select_n3A_400 = arith.select %eq3A_396, %broadcast_in_dim3A_399, %select_n3A_384 : vector<32x32xi1>, vector<32x32xf32>
    %eq3A_401 = arith.constant 1.800000e+01 : f32
    %eq3A_402 = vector.broadcast %eq3A_401 : f32 to vector<32x157x128xf32>
    %eq3A_403 = arith.cmpf oeq, %select_n3A, %eq3A_402 : vector<32x157x128xf32>
    %jit3A_404 = arith.constant 0.000000e+00 : f32
    %broadcast_in_dim3A_405 = vector.broadcast %jit3A_404 : f32 to vector<32x157x128xf32>
    %select_n3A_406 = arith.select %eq3A_403, %convert_element_type3A_111, %broadcast_in_dim3A_405 : vector<32x157x128xi1>, vector<32x157x128xf32>
    %reduce_sum3A_407 = arith.constant dense<0.000000e+00> : vector<32xf32>
    %reduce_sum3A_408 = vector.multi_reduction <add>, %select_n3A_406, %reduce_sum3A_407 [1, 2] : vector<32x157x128xf32> to vector<32xf32>
    %broadcast_in_dim3A_409 = vector.shape_cast %reduce_sum3A_408 : vector<32xf32> to vector<32x1x1xf32>
    %eq3A_410 = arith.constant 18 : i32
    %eq3A_411 = vector.broadcast %eq3A_410 : i32 to vector<32x32xi32>
    %eq3A_412 = arith.cmpi eq, %iota3A_112, %eq3A_411 : vector<32x32xi32>
    %squeeze3A_413 = vector.shape_cast %broadcast_in_dim3A_409 : vector<32x1x1xf32> to vector<32x1xf32>
    %broadcast_in_dim3A_414 = vector.shape_cast %squeeze3A_413 : vector<32x1xf32> to vector<32x1xf32>
    %broadcast_in_dim3A_415 = vector.broadcast %broadcast_in_dim3A_414 : vector<32x1xf32> to vector<32x32xf32>
    %select_n3A_416 = arith.select %eq3A_412, %broadcast_in_dim3A_415, %select_n3A_400 : vector<32x32xi1>, vector<32x32xf32>
    %eq3A_417 = arith.constant 1.900000e+01 : f32
    %eq3A_418 = vector.broadcast %eq3A_417 : f32 to vector<32x157x128xf32>
    %eq3A_419 = arith.cmpf oeq, %select_n3A, %eq3A_418 : vector<32x157x128xf32>
    %jit3A_420 = arith.constant 0.000000e+00 : f32
    %broadcast_in_dim3A_421 = vector.broadcast %jit3A_420 : f32 to vector<32x157x128xf32>
    %select_n3A_422 = arith.select %eq3A_419, %convert_element_type3A_111, %broadcast_in_dim3A_421 : vector<32x157x128xi1>, vector<32x157x128xf32>
    %reduce_sum3A_423 = arith.constant dense<0.000000e+00> : vector<32xf32>
    %reduce_sum3A_424 = vector.multi_reduction <add>, %select_n3A_422, %reduce_sum3A_423 [1, 2] : vector<32x157x128xf32> to vector<32xf32>
    %broadcast_in_dim3A_425 = vector.shape_cast %reduce_sum3A_424 : vector<32xf32> to vector<32x1x1xf32>
    %eq3A_426 = arith.constant 19 : i32
    %eq3A_427 = vector.broadcast %eq3A_426 : i32 to vector<32x32xi32>
    %eq3A_428 = arith.cmpi eq, %iota3A_112, %eq3A_427 : vector<32x32xi32>
    %squeeze3A_429 = vector.shape_cast %broadcast_in_dim3A_425 : vector<32x1x1xf32> to vector<32x1xf32>
    %broadcast_in_dim3A_430 = vector.shape_cast %squeeze3A_429 : vector<32x1xf32> to vector<32x1xf32>
    %broadcast_in_dim3A_431 = vector.broadcast %broadcast_in_dim3A_430 : vector<32x1xf32> to vector<32x32xf32>
    %select_n3A_432 = arith.select %eq3A_428, %broadcast_in_dim3A_431, %select_n3A_416 : vector<32x32xi1>, vector<32x32xf32>
    %eq3A_433 = arith.constant 2.000000e+01 : f32
    %eq3A_434 = vector.broadcast %eq3A_433 : f32 to vector<32x157x128xf32>
    %eq3A_435 = arith.cmpf oeq, %select_n3A, %eq3A_434 : vector<32x157x128xf32>
    %jit3A_436 = arith.constant 0.000000e+00 : f32
    %broadcast_in_dim3A_437 = vector.broadcast %jit3A_436 : f32 to vector<32x157x128xf32>
    %select_n3A_438 = arith.select %eq3A_435, %convert_element_type3A_111, %broadcast_in_dim3A_437 : vector<32x157x128xi1>, vector<32x157x128xf32>
    %reduce_sum3A_439 = arith.constant dense<0.000000e+00> : vector<32xf32>
    %reduce_sum3A_440 = vector.multi_reduction <add>, %select_n3A_438, %reduce_sum3A_439 [1, 2] : vector<32x157x128xf32> to vector<32xf32>
    %broadcast_in_dim3A_441 = vector.shape_cast %reduce_sum3A_440 : vector<32xf32> to vector<32x1x1xf32>
    %eq3A_442 = arith.constant 20 : i32
    %eq3A_443 = vector.broadcast %eq3A_442 : i32 to vector<32x32xi32>
    %eq3A_444 = arith.cmpi eq, %iota3A_112, %eq3A_443 : vector<32x32xi32>
    %squeeze3A_445 = vector.shape_cast %broadcast_in_dim3A_441 : vector<32x1x1xf32> to vector<32x1xf32>
    %broadcast_in_dim3A_446 = vector.shape_cast %squeeze3A_445 : vector<32x1xf32> to vector<32x1xf32>
    %broadcast_in_dim3A_447 = vector.broadcast %broadcast_in_dim3A_446 : vector<32x1xf32> to vector<32x32xf32>
    %select_n3A_448 = arith.select %eq3A_444, %broadcast_in_dim3A_447, %select_n3A_432 : vector<32x32xi1>, vector<32x32xf32>
    %eq3A_449 = arith.constant 2.100000e+01 : f32
    %eq3A_450 = vector.broadcast %eq3A_449 : f32 to vector<32x157x128xf32>
    %eq3A_451 = arith.cmpf oeq, %select_n3A, %eq3A_450 : vector<32x157x128xf32>
    %jit3A_452 = arith.constant 0.000000e+00 : f32
    %broadcast_in_dim3A_453 = vector.broadcast %jit3A_452 : f32 to vector<32x157x128xf32>
    %select_n3A_454 = arith.select %eq3A_451, %convert_element_type3A_111, %broadcast_in_dim3A_453 : vector<32x157x128xi1>, vector<32x157x128xf32>
    %reduce_sum3A_455 = arith.constant dense<0.000000e+00> : vector<32xf32>
    %reduce_sum3A_456 = vector.multi_reduction <add>, %select_n3A_454, %reduce_sum3A_455 [1, 2] : vector<32x157x128xf32> to vector<32xf32>
    %broadcast_in_dim3A_457 = vector.shape_cast %reduce_sum3A_456 : vector<32xf32> to vector<32x1x1xf32>
    %eq3A_458 = arith.constant 21 : i32
    %eq3A_459 = vector.broadcast %eq3A_458 : i32 to vector<32x32xi32>
    %eq3A_460 = arith.cmpi eq, %iota3A_112, %eq3A_459 : vector<32x32xi32>
    %squeeze3A_461 = vector.shape_cast %broadcast_in_dim3A_457 : vector<32x1x1xf32> to vector<32x1xf32>
    %broadcast_in_dim3A_462 = vector.shape_cast %squeeze3A_461 : vector<32x1xf32> to vector<32x1xf32>
    %broadcast_in_dim3A_463 = vector.broadcast %broadcast_in_dim3A_462 : vector<32x1xf32> to vector<32x32xf32>
    %select_n3A_464 = arith.select %eq3A_460, %broadcast_in_dim3A_463, %select_n3A_448 : vector<32x32xi1>, vector<32x32xf32>
    %eq3A_465 = arith.constant 2.200000e+01 : f32
    %eq3A_466 = vector.broadcast %eq3A_465 : f32 to vector<32x157x128xf32>
    %eq3A_467 = arith.cmpf oeq, %select_n3A, %eq3A_466 : vector<32x157x128xf32>
    %jit3A_468 = arith.constant 0.000000e+00 : f32
    %broadcast_in_dim3A_469 = vector.broadcast %jit3A_468 : f32 to vector<32x157x128xf32>
    %select_n3A_470 = arith.select %eq3A_467, %convert_element_type3A_111, %broadcast_in_dim3A_469 : vector<32x157x128xi1>, vector<32x157x128xf32>
    %reduce_sum3A_471 = arith.constant dense<0.000000e+00> : vector<32xf32>
    %reduce_sum3A_472 = vector.multi_reduction <add>, %select_n3A_470, %reduce_sum3A_471 [1, 2] : vector<32x157x128xf32> to vector<32xf32>
    %broadcast_in_dim3A_473 = vector.shape_cast %reduce_sum3A_472 : vector<32xf32> to vector<32x1x1xf32>
    %eq3A_474 = arith.constant 22 : i32
    %eq3A_475 = vector.broadcast %eq3A_474 : i32 to vector<32x32xi32>
    %eq3A_476 = arith.cmpi eq, %iota3A_112, %eq3A_475 : vector<32x32xi32>
    %squeeze3A_477 = vector.shape_cast %broadcast_in_dim3A_473 : vector<32x1x1xf32> to vector<32x1xf32>
    %broadcast_in_dim3A_478 = vector.shape_cast %squeeze3A_477 : vector<32x1xf32> to vector<32x1xf32>
    %broadcast_in_dim3A_479 = vector.broadcast %broadcast_in_dim3A_478 : vector<32x1xf32> to vector<32x32xf32>
    %select_n3A_480 = arith.select %eq3A_476, %broadcast_in_dim3A_479, %select_n3A_464 : vector<32x32xi1>, vector<32x32xf32>
    %eq3A_481 = arith.constant 2.300000e+01 : f32
    %eq3A_482 = vector.broadcast %eq3A_481 : f32 to vector<32x157x128xf32>
    %eq3A_483 = arith.cmpf oeq, %select_n3A, %eq3A_482 : vector<32x157x128xf32>
    %jit3A_484 = arith.constant 0.000000e+00 : f32
    %broadcast_in_dim3A_485 = vector.broadcast %jit3A_484 : f32 to vector<32x157x128xf32>
    %select_n3A_486 = arith.select %eq3A_483, %convert_element_type3A_111, %broadcast_in_dim3A_485 : vector<32x157x128xi1>, vector<32x157x128xf32>
    %reduce_sum3A_487 = arith.constant dense<0.000000e+00> : vector<32xf32>
    %reduce_sum3A_488 = vector.multi_reduction <add>, %select_n3A_486, %reduce_sum3A_487 [1, 2] : vector<32x157x128xf32> to vector<32xf32>
    %broadcast_in_dim3A_489 = vector.shape_cast %reduce_sum3A_488 : vector<32xf32> to vector<32x1x1xf32>
    %eq3A_490 = arith.constant 23 : i32
    %eq3A_491 = vector.broadcast %eq3A_490 : i32 to vector<32x32xi32>
    %eq3A_492 = arith.cmpi eq, %iota3A_112, %eq3A_491 : vector<32x32xi32>
    %squeeze3A_493 = vector.shape_cast %broadcast_in_dim3A_489 : vector<32x1x1xf32> to vector<32x1xf32>
    %broadcast_in_dim3A_494 = vector.shape_cast %squeeze3A_493 : vector<32x1xf32> to vector<32x1xf32>
    %broadcast_in_dim3A_495 = vector.broadcast %broadcast_in_dim3A_494 : vector<32x1xf32> to vector<32x32xf32>
    %select_n3A_496 = arith.select %eq3A_492, %broadcast_in_dim3A_495, %select_n3A_480 : vector<32x32xi1>, vector<32x32xf32>
    %eq3A_497 = arith.constant 2.400000e+01 : f32
    %eq3A_498 = vector.broadcast %eq3A_497 : f32 to vector<32x157x128xf32>
    %eq3A_499 = arith.cmpf oeq, %select_n3A, %eq3A_498 : vector<32x157x128xf32>
    %jit3A_500 = arith.constant 0.000000e+00 : f32
    %broadcast_in_dim3A_501 = vector.broadcast %jit3A_500 : f32 to vector<32x157x128xf32>
    %select_n3A_502 = arith.select %eq3A_499, %convert_element_type3A_111, %broadcast_in_dim3A_501 : vector<32x157x128xi1>, vector<32x157x128xf32>
    %reduce_sum3A_503 = arith.constant dense<0.000000e+00> : vector<32xf32>
    %reduce_sum3A_504 = vector.multi_reduction <add>, %select_n3A_502, %reduce_sum3A_503 [1, 2] : vector<32x157x128xf32> to vector<32xf32>
    %broadcast_in_dim3A_505 = vector.shape_cast %reduce_sum3A_504 : vector<32xf32> to vector<32x1x1xf32>
    %eq3A_506 = arith.constant 24 : i32
    %eq3A_507 = vector.broadcast %eq3A_506 : i32 to vector<32x32xi32>
    %eq3A_508 = arith.cmpi eq, %iota3A_112, %eq3A_507 : vector<32x32xi32>
    %squeeze3A_509 = vector.shape_cast %broadcast_in_dim3A_505 : vector<32x1x1xf32> to vector<32x1xf32>
    %broadcast_in_dim3A_510 = vector.shape_cast %squeeze3A_509 : vector<32x1xf32> to vector<32x1xf32>
    %broadcast_in_dim3A_511 = vector.broadcast %broadcast_in_dim3A_510 : vector<32x1xf32> to vector<32x32xf32>
    %select_n3A_512 = arith.select %eq3A_508, %broadcast_in_dim3A_511, %select_n3A_496 : vector<32x32xi1>, vector<32x32xf32>
    %eq3A_513 = arith.constant 2.500000e+01 : f32
    %eq3A_514 = vector.broadcast %eq3A_513 : f32 to vector<32x157x128xf32>
    %eq3A_515 = arith.cmpf oeq, %select_n3A, %eq3A_514 : vector<32x157x128xf32>
    %jit3A_516 = arith.constant 0.000000e+00 : f32
    %broadcast_in_dim3A_517 = vector.broadcast %jit3A_516 : f32 to vector<32x157x128xf32>
    %select_n3A_518 = arith.select %eq3A_515, %convert_element_type3A_111, %broadcast_in_dim3A_517 : vector<32x157x128xi1>, vector<32x157x128xf32>
    %reduce_sum3A_519 = arith.constant dense<0.000000e+00> : vector<32xf32>
    %reduce_sum3A_520 = vector.multi_reduction <add>, %select_n3A_518, %reduce_sum3A_519 [1, 2] : vector<32x157x128xf32> to vector<32xf32>
    %broadcast_in_dim3A_521 = vector.shape_cast %reduce_sum3A_520 : vector<32xf32> to vector<32x1x1xf32>
    %eq3A_522 = arith.constant 25 : i32
    %eq3A_523 = vector.broadcast %eq3A_522 : i32 to vector<32x32xi32>
    %eq3A_524 = arith.cmpi eq, %iota3A_112, %eq3A_523 : vector<32x32xi32>
    %squeeze3A_525 = vector.shape_cast %broadcast_in_dim3A_521 : vector<32x1x1xf32> to vector<32x1xf32>
    %broadcast_in_dim3A_526 = vector.shape_cast %squeeze3A_525 : vector<32x1xf32> to vector<32x1xf32>
    %broadcast_in_dim3A_527 = vector.broadcast %broadcast_in_dim3A_526 : vector<32x1xf32> to vector<32x32xf32>
    %select_n3A_528 = arith.select %eq3A_524, %broadcast_in_dim3A_527, %select_n3A_512 : vector<32x32xi1>, vector<32x32xf32>
    %eq3A_529 = arith.constant 2.600000e+01 : f32
    %eq3A_530 = vector.broadcast %eq3A_529 : f32 to vector<32x157x128xf32>
    %eq3A_531 = arith.cmpf oeq, %select_n3A, %eq3A_530 : vector<32x157x128xf32>
    %jit3A_532 = arith.constant 0.000000e+00 : f32
    %broadcast_in_dim3A_533 = vector.broadcast %jit3A_532 : f32 to vector<32x157x128xf32>
    %select_n3A_534 = arith.select %eq3A_531, %convert_element_type3A_111, %broadcast_in_dim3A_533 : vector<32x157x128xi1>, vector<32x157x128xf32>
    %reduce_sum3A_535 = arith.constant dense<0.000000e+00> : vector<32xf32>
    %reduce_sum3A_536 = vector.multi_reduction <add>, %select_n3A_534, %reduce_sum3A_535 [1, 2] : vector<32x157x128xf32> to vector<32xf32>
    %broadcast_in_dim3A_537 = vector.shape_cast %reduce_sum3A_536 : vector<32xf32> to vector<32x1x1xf32>
    %eq3A_538 = arith.constant 26 : i32
    %eq3A_539 = vector.broadcast %eq3A_538 : i32 to vector<32x32xi32>
    %eq3A_540 = arith.cmpi eq, %iota3A_112, %eq3A_539 : vector<32x32xi32>
    %squeeze3A_541 = vector.shape_cast %broadcast_in_dim3A_537 : vector<32x1x1xf32> to vector<32x1xf32>
    %broadcast_in_dim3A_542 = vector.shape_cast %squeeze3A_541 : vector<32x1xf32> to vector<32x1xf32>
    %broadcast_in_dim3A_543 = vector.broadcast %broadcast_in_dim3A_542 : vector<32x1xf32> to vector<32x32xf32>
    %select_n3A_544 = arith.select %eq3A_540, %broadcast_in_dim3A_543, %select_n3A_528 : vector<32x32xi1>, vector<32x32xf32>
    %eq3A_545 = arith.constant 2.700000e+01 : f32
    %eq3A_546 = vector.broadcast %eq3A_545 : f32 to vector<32x157x128xf32>
    %eq3A_547 = arith.cmpf oeq, %select_n3A, %eq3A_546 : vector<32x157x128xf32>
    %jit3A_548 = arith.constant 0.000000e+00 : f32
    %broadcast_in_dim3A_549 = vector.broadcast %jit3A_548 : f32 to vector<32x157x128xf32>
    %select_n3A_550 = arith.select %eq3A_547, %convert_element_type3A_111, %broadcast_in_dim3A_549 : vector<32x157x128xi1>, vector<32x157x128xf32>
    %reduce_sum3A_551 = arith.constant dense<0.000000e+00> : vector<32xf32>
    %reduce_sum3A_552 = vector.multi_reduction <add>, %select_n3A_550, %reduce_sum3A_551 [1, 2] : vector<32x157x128xf32> to vector<32xf32>
    %broadcast_in_dim3A_553 = vector.shape_cast %reduce_sum3A_552 : vector<32xf32> to vector<32x1x1xf32>
    %eq3A_554 = arith.constant 27 : i32
    %eq3A_555 = vector.broadcast %eq3A_554 : i32 to vector<32x32xi32>
    %eq3A_556 = arith.cmpi eq, %iota3A_112, %eq3A_555 : vector<32x32xi32>
    %squeeze3A_557 = vector.shape_cast %broadcast_in_dim3A_553 : vector<32x1x1xf32> to vector<32x1xf32>
    %broadcast_in_dim3A_558 = vector.shape_cast %squeeze3A_557 : vector<32x1xf32> to vector<32x1xf32>
    %broadcast_in_dim3A_559 = vector.broadcast %broadcast_in_dim3A_558 : vector<32x1xf32> to vector<32x32xf32>
    %select_n3A_560 = arith.select %eq3A_556, %broadcast_in_dim3A_559, %select_n3A_544 : vector<32x32xi1>, vector<32x32xf32>
    %eq3A_561 = arith.constant 2.800000e+01 : f32
    %eq3A_562 = vector.broadcast %eq3A_561 : f32 to vector<32x157x128xf32>
    %eq3A_563 = arith.cmpf oeq, %select_n3A, %eq3A_562 : vector<32x157x128xf32>
    %jit3A_564 = arith.constant 0.000000e+00 : f32
    %broadcast_in_dim3A_565 = vector.broadcast %jit3A_564 : f32 to vector<32x157x128xf32>
    %select_n3A_566 = arith.select %eq3A_563, %convert_element_type3A_111, %broadcast_in_dim3A_565 : vector<32x157x128xi1>, vector<32x157x128xf32>
    %reduce_sum3A_567 = arith.constant dense<0.000000e+00> : vector<32xf32>
    %reduce_sum3A_568 = vector.multi_reduction <add>, %select_n3A_566, %reduce_sum3A_567 [1, 2] : vector<32x157x128xf32> to vector<32xf32>
    %broadcast_in_dim3A_569 = vector.shape_cast %reduce_sum3A_568 : vector<32xf32> to vector<32x1x1xf32>
    %eq3A_570 = arith.constant 28 : i32
    %eq3A_571 = vector.broadcast %eq3A_570 : i32 to vector<32x32xi32>
    %eq3A_572 = arith.cmpi eq, %iota3A_112, %eq3A_571 : vector<32x32xi32>
    %squeeze3A_573 = vector.shape_cast %broadcast_in_dim3A_569 : vector<32x1x1xf32> to vector<32x1xf32>
    %broadcast_in_dim3A_574 = vector.shape_cast %squeeze3A_573 : vector<32x1xf32> to vector<32x1xf32>
    %broadcast_in_dim3A_575 = vector.broadcast %broadcast_in_dim3A_574 : vector<32x1xf32> to vector<32x32xf32>
    %select_n3A_576 = arith.select %eq3A_572, %broadcast_in_dim3A_575, %select_n3A_560 : vector<32x32xi1>, vector<32x32xf32>
    %eq3A_577 = arith.constant 2.900000e+01 : f32
    %eq3A_578 = vector.broadcast %eq3A_577 : f32 to vector<32x157x128xf32>
    %eq3A_579 = arith.cmpf oeq, %select_n3A, %eq3A_578 : vector<32x157x128xf32>
    %jit3A_580 = arith.constant 0.000000e+00 : f32
    %broadcast_in_dim3A_581 = vector.broadcast %jit3A_580 : f32 to vector<32x157x128xf32>
    %select_n3A_582 = arith.select %eq3A_579, %convert_element_type3A_111, %broadcast_in_dim3A_581 : vector<32x157x128xi1>, vector<32x157x128xf32>
    %reduce_sum3A_583 = arith.constant dense<0.000000e+00> : vector<32xf32>
    %reduce_sum3A_584 = vector.multi_reduction <add>, %select_n3A_582, %reduce_sum3A_583 [1, 2] : vector<32x157x128xf32> to vector<32xf32>
    %broadcast_in_dim3A_585 = vector.shape_cast %reduce_sum3A_584 : vector<32xf32> to vector<32x1x1xf32>
    %eq3A_586 = arith.constant 29 : i32
    %eq3A_587 = vector.broadcast %eq3A_586 : i32 to vector<32x32xi32>
    %eq3A_588 = arith.cmpi eq, %iota3A_112, %eq3A_587 : vector<32x32xi32>
    %squeeze3A_589 = vector.shape_cast %broadcast_in_dim3A_585 : vector<32x1x1xf32> to vector<32x1xf32>
    %broadcast_in_dim3A_590 = vector.shape_cast %squeeze3A_589 : vector<32x1xf32> to vector<32x1xf32>
    %broadcast_in_dim3A_591 = vector.broadcast %broadcast_in_dim3A_590 : vector<32x1xf32> to vector<32x32xf32>
    %select_n3A_592 = arith.select %eq3A_588, %broadcast_in_dim3A_591, %select_n3A_576 : vector<32x32xi1>, vector<32x32xf32>
    %eq3A_593 = arith.constant 3.000000e+01 : f32
    %eq3A_594 = vector.broadcast %eq3A_593 : f32 to vector<32x157x128xf32>
    %eq3A_595 = arith.cmpf oeq, %select_n3A, %eq3A_594 : vector<32x157x128xf32>
    %jit3A_596 = arith.constant 0.000000e+00 : f32
    %broadcast_in_dim3A_597 = vector.broadcast %jit3A_596 : f32 to vector<32x157x128xf32>
    %select_n3A_598 = arith.select %eq3A_595, %convert_element_type3A_111, %broadcast_in_dim3A_597 : vector<32x157x128xi1>, vector<32x157x128xf32>
    %reduce_sum3A_599 = arith.constant dense<0.000000e+00> : vector<32xf32>
    %reduce_sum3A_600 = vector.multi_reduction <add>, %select_n3A_598, %reduce_sum3A_599 [1, 2] : vector<32x157x128xf32> to vector<32xf32>
    %broadcast_in_dim3A_601 = vector.shape_cast %reduce_sum3A_600 : vector<32xf32> to vector<32x1x1xf32>
    %eq3A_602 = arith.constant 30 : i32
    %eq3A_603 = vector.broadcast %eq3A_602 : i32 to vector<32x32xi32>
    %eq3A_604 = arith.cmpi eq, %iota3A_112, %eq3A_603 : vector<32x32xi32>
    %squeeze3A_605 = vector.shape_cast %broadcast_in_dim3A_601 : vector<32x1x1xf32> to vector<32x1xf32>
    %broadcast_in_dim3A_606 = vector.shape_cast %squeeze3A_605 : vector<32x1xf32> to vector<32x1xf32>
    %broadcast_in_dim3A_607 = vector.broadcast %broadcast_in_dim3A_606 : vector<32x1xf32> to vector<32x32xf32>
    %select_n3A_608 = arith.select %eq3A_604, %broadcast_in_dim3A_607, %select_n3A_592 : vector<32x32xi1>, vector<32x32xf32>
    %eq3A_609 = arith.constant 3.100000e+01 : f32
    %eq3A_610 = vector.broadcast %eq3A_609 : f32 to vector<32x157x128xf32>
    %eq3A_611 = arith.cmpf oeq, %select_n3A, %eq3A_610 : vector<32x157x128xf32>
    %jit3A_612 = arith.constant 0.000000e+00 : f32
    %broadcast_in_dim3A_613 = vector.broadcast %jit3A_612 : f32 to vector<32x157x128xf32>
    %select_n3A_614 = arith.select %eq3A_611, %convert_element_type3A_111, %broadcast_in_dim3A_613 : vector<32x157x128xi1>, vector<32x157x128xf32>
    %reduce_sum3A_615 = arith.constant dense<0.000000e+00> : vector<32xf32>
    %reduce_sum3A_616 = vector.multi_reduction <add>, %select_n3A_614, %reduce_sum3A_615 [1, 2] : vector<32x157x128xf32> to vector<32xf32>
    %broadcast_in_dim3A_617 = vector.shape_cast %reduce_sum3A_616 : vector<32xf32> to vector<32x1x1xf32>
    %eq3A_618 = arith.constant 31 : i32
    %eq3A_619 = vector.broadcast %eq3A_618 : i32 to vector<32x32xi32>
    %eq3A_620 = arith.cmpi eq, %iota3A_112, %eq3A_619 : vector<32x32xi32>
    %squeeze3A_621 = vector.shape_cast %broadcast_in_dim3A_617 : vector<32x1x1xf32> to vector<32x1xf32>
    %broadcast_in_dim3A_622 = vector.shape_cast %squeeze3A_621 : vector<32x1xf32> to vector<32x1xf32>
    %broadcast_in_dim3A_623 = vector.broadcast %broadcast_in_dim3A_622 : vector<32x1xf32> to vector<32x32xf32>
    %select_n3A_624 = arith.select %eq3A_620, %broadcast_in_dim3A_623, %select_n3A_608 : vector<32x32xi1>, vector<32x32xf32>
    %convert_element_type3A_625 = arith.sitofp %iota3A_112 : vector<32x32xi32> to vector<32x32xf32>
    %lt3A_626 = vector.broadcast %broadcast_in_dim3A_110 : vector<32x1xf32> to vector<32x32xf32>
    %lt3A_627 = arith.cmpf olt, %convert_element_type3A_625, %lt3A_626 : vector<32x32xf32>
    %slice3A = vector.extract_strided_slice %select_n3A_624 {offsets = [0, 0], sizes = [32, 1], strides = [1, 1]} : vector<32x32xf32> to vector<32x1xf32>
    %broadcast_in_dim3A_628 = vector.shape_cast %slice3A : vector<32x1xf32> to vector<32x1xf32>
    %broadcast_in_dim3A_629 = vector.broadcast %broadcast_in_dim3A_628 : vector<32x1xf32> to vector<32x32xf32>
    %select_n3A_630 = arith.select %lt3A_627, %select_n3A_624, %broadcast_in_dim3A_629 : vector<32x32xi1>, vector<32x32xf32>
    %convert_element_type3A_631 = arith.fptosi %select_n3A_630 : vector<32x32xf32> to vector<32x32xi32>
    %swap3A = arith.constant 0 : index
    %swap3A_632 = arith.constant 0 : index
    %swap3A_633 = arith.constant 0 : index
    %swap3A_634 = vector.load %arg6[%swap3A, %swap3A_632, %swap3A_633] : memref<1x32x32xi32, #tpu.memory_space<vmem>>, vector<1x32x32xi32>
    %swap3A_635 = vector.shape_cast %swap3A_634 : vector<1x32x32xi32> to vector<32x32xi32>
    %swap3A_636 = vector.shape_cast %convert_element_type3A_631 : vector<32x32xi32> to vector<1x32x32xi32>
    tpu.vector_store %arg6[%swap3A, %swap3A_632, %swap3A_633], %swap3A_636 {strides = array<i32>} : memref<1x32x32xi32, #tpu.memory_space<vmem>>, vector<1x32x32xi32>,
    return
  }
  func.func @transform_0(%arg0: i32, %arg1: i32) -> (i32, i32, i32, i32) {
    %c0_i32 = arith.constant 0 : i32
    %c0_i32_0 = arith.constant 0 : i32
    %c0_i32_1 = arith.constant 0 : i32
    %c0_i32_2 = arith.constant 0 : i32
    return %arg0, %c0_i32, %c0_i32_0, %c0_i32_1 : i32, i32, i32, i32
  }
  func.func @transform_1(%arg0: i32, %arg1: i32) -> (i32, i32, i32, i32, i32) {
    %c0_i32 = arith.constant 0 : i32
    %c0_i32_0 = arith.constant 0 : i32
    %c0_i32_1 = arith.constant 0 : i32
    %c0_i32_2 = arith.constant 0 : i32
    return %arg0, %c0_i32, %arg1, %c0_i32_0, %c0_i32_1 : i32, i32, i32, i32, i32
  }
  func.func @transform_2(%arg0: i32, %arg1: i32) -> (i32, i32) {
    %c0_i32 = arith.constant 0 : i32
    %c0_i32_0 = arith.constant 0 : i32
    %c0_i32_1 = arith.constant 0 : i32
    return %c0_i32, %c0_i32_0 : i32, i32
  }
  func.func @transform_3(%arg0: i32, %arg1: i32) -> (i32, i32) {
    %c0_i32 = arith.constant 0 : i32
    %c0_i32_0 = arith.constant 0 : i32
    %c0_i32_1 = arith.constant 0 : i32
    return %c0_i32, %c0_i32_0 : i32, i32
  }
  func.func @transform_4(%arg0: i32, %arg1: i32) -> (i32, i32, i32) {
    %c0_i32 = arith.constant 0 : i32
    %c0_i32_0 = arith.constant 0 : i32
    return %arg0, %arg1, %c0_i32 : i32, i32, i32
  }
}

</mosaic_0001>

<sc_bundles>
// kernel: gather_offload_async_start.1
scs
__scs_entry_jumppad:
0x0: {  	(pc) =	sbr.rel $0x88, $3  }
0x1: {  	(tag) =	ssettag $0x0;
	lr =	simm.s32 $0x1  }
0x2: {  	[smem:$0x3F7C] =	sst lr;
	_ =	strace $0xD0000000  }
0x3: {  	_ = 	snop  }
0x4: {  	_ = 	snop  }
0x5: {  	_ = 	snop  }
0x6: {  	_ = 	snop  }
0x7: {  	_ = 	snop  }
__scs_overlays_trampoline_lowered:
0x8: {  	[smem:$0x3F8B] =	sst s0  }
0x9: {  	[smem:$0x3F8C] =	sst s1  }
0xa: {  	[smem:$0x3F8D] =	sst s2  }
0xb: {  	[smem:$0x3F8E] =	sst s3  }
0xc: {  	[smem:$0x3F8F] =	sst s4  }
0xd: {  	[smem:$0x3F90] =	sst s5  }
0xe: {  	[smem:$0x3F91] =	sst s6  }
0xf: {  	[smem:$0x3F92] =	sst s7  }
0x10: {  	[smem:$0x3F93] =	sst s8  }
0x11: {  	[smem:$0x3F94] =	sst s9;
	s0 =	simm.s32 @!p0 $0x0  }
0x12: {  	s1 =	sld [smem:$0x3F7A];
	s0 =	simm.s32 @p0 $0x1  }
0x13: {  	[smem:$0x3F95] =	sst s0;
	s0 =	simm.s32 @!p1 $0x0  }
0x14: {  	s2 =	sld [smem:$0x3F79];
	s0 =	simm.s32 @p1 $0x1  }
0x15: {  	[smem:$0x3F96] =	sst s0;
	s0 =	simm.s32 @!p2 $0x0  }
0x16: {  	s3 =	sld [smem:$0x3FDB];
	s0 =	simm.s32 @p2 $0x1  }
0x17: {  	s4 =	simm.s32 $0x1BF5;
	[smem:$0x3F98] =	sst s0  }
0x18: {  	s0 =	sld [smem:$0x3F7B];
	_ =	swait.ge [sflag:s4], $0x0  }
0x19: {  	s7 =	sld [smem:$0x3F7C]  }
0x1a: {  	s8 =	sadd.s32 $0xFFFFE003, lr  }
0x1b: {  	s9 =	sadd.s32 $0xFFFFFEF7, lr;
	s5 =	simm.s32 $0xFFFFFFFF;
	p2 =	slt.u32 s8, $0xFFFFF086  }
0x1c: {  	p1 =	slt.u32 s9, $0xF7A;
	s5 =	simm.s32 @!p2 $0x0  }
0x1d: {  	s5 =	simm.s32 @p1 $0x1;
	p0 =	seq.s32 s7, s2  }
0x1e: {  	s7 =	smul.u32 @!p0 $0xF7A, s2;
	p2 =	seq.s32 @!p0 s5, $0x0  }
0x1f: {  	s9 =	smul.u32 $0xF7A, s1;
	s8 =	simm.s32 @!p0 $0x1BF5;
	p2 =	por !p2, p0  }
0x20: {  	[sflag:s8] =	ssyncset.s32 @!p0 $0xFFFFF086;
	s6 =	sadd.s32 @!p0 s3, s7;
	s7 =	simm.s32 @!p0 $0x108  }
0x21: {  	s3 =	sadd.s32 s3, s9;
	s6 =	sadd.s32 @!p0 $0x88, s6;
	s7 =	simm.s32 @p2 $0x1082  }
0x22: {  	[simem:s7], [sflag:s8] =	dma.local @!p0 [hbm:s6], $0xF7A  }
0x23: {  	s9 =	sor.u32 $0xD0000000, s2;
	s6 =	simm.s32 $0x108;
	_ =	swait.ge @!p0 [sflag:s8], $0x0  }
0x24: {  	s3 =	sadd.s32 $0x88, s3;
	s6 =	simm.s32 @!p1 $0x1082;
	[sflag:s4] =	ssyncset.s32 $0xFFFFF086  }
0x25: {  	[simem:s6], [sflag:s4] =	dma.local [hbm:s3], $0xF7A  }
0x26: {  	[smem:$0x3F7C] =	sst s1;
	(tag) =	ssettag s2;
	_ =	strace s9  }
0x27: {  	s1 =	sld [smem:$0x3F8C]  }
0x28: {  	s2 =	sld [smem:$0x3F8D]  }
0x29: {  	s4 =	sld [smem:$0x3F8F]  }
0x2a: {  	p0 =	seq.s32 s5, $0x0;
	s5 =	sld [smem:$0x3F90]  }
0x2b: {  	s6 =	sld [smem:$0x3F91]  }
0x2c: {  	s7 =	sld [smem:$0x3F92]  }
0x2d: {  	s3 =	simm.s32 $0x108;
	s8 =	sld [smem:$0x3F93]  }
0x2e: {  	s3 =	simm.s32 @!p0 $0x1082;
	s9 =	sld [smem:$0x3F94]  }
0x2f: {  	lr =	sadd.s32 s0, s3;
	s0 =	sld [smem:$0x3F8B]  }
0x30: {  	s3 =	sld [smem:$0x3F8E]  }
0x31: {  	[smem:$0x3F97] =	sst s10  }
0x32: {  	s10 =	sld [smem:$0x3F95];
	_ =	sdelay $0x3  }
0x33: {  	p0 =	seq.s32 s10, $0x1;
	s10 =	sld [smem:$0x3F97];
	_ =	sdelay $0x3  }
0x34: {  	[smem:$0x3F97] =	sst s10  }
0x35: {  	s10 =	sld [smem:$0x3F96];
	_ =	sdelay $0x3  }
0x36: {  	p1 =	seq.s32 s10, $0x1;
	s10 =	sld [smem:$0x3F97];
	_ =	sdelay $0x3  }
0x37: {  	[smem:$0x3F97] =	sst s10  }
0x38: {  	s10 =	sld [smem:$0x3F98]  }
0x39: {  	_ = 	snop;
	(pc) =	sbr.ind lr, $3  }
0x3a: {  	_ = 	snop  }
0x3b: {  	_ = 	snop  }
0x3c: {  	p2 =	seq.s32 s10, $0x1;
	s10 =	sld [smem:$0x3F97]  }
0x3d: {  	_ =	shalt  }
0x3e: {  	_ =	shalt  }
0x3f: {  	_ =	shalt  }
0x40: {  	_ =	shalt  }
0x41: {  	_ =	shalt  }
0x42: {  	_ =	shalt  }
0x43: {  	_ =	shalt  }
0x44: {  	_ =	shalt  }
0x45: {  	_ =	shalt  }
0x46: {  	_ =	shalt  }
0x47: {  	_ =	shalt  }
0x48: {  	_ =	shalt  }
0x49: {  	_ =	shalt  }
0x4a: {  	_ =	shalt  }
0x4b: {  	_ =	shalt  }
0x4c: {  	_ =	shalt  }
0x4d: {  	_ =	shalt  }
0x4e: {  	_ =	shalt  }
0x4f: {  	_ =	shalt  }
0x50: {  	_ =	shalt  }
0x51: {  	_ =	shalt  }
0x52: {  	_ =	shalt  }
0x53: {  	_ =	shalt  }
0x54: {  	_ =	shalt  }
0x55: {  	_ =	shalt  }
0x56: {  	_ =	shalt  }
0x57: {  	_ =	shalt  }
0x58: {  	_ =	shalt  }
0x59: {  	_ =	shalt  }
0x5a: {  	_ =	shalt  }
0x5b: {  	_ =	shalt  }
0x5c: {  	_ =	shalt  }
0x5d: {  	_ =	shalt  }
0x5e: {  	_ =	shalt  }
0x5f: {  	_ =	shalt  }
0x60: {  	_ =	shalt  }
0x61: {  	_ =	shalt  }
0x62: {  	_ =	shalt  }
0x63: {  	_ =	shalt  }
0x64: {  	_ =	shalt  }
0x65: {  	_ =	shalt  }
0x66: {  	_ =	shalt  }
0x67: {  	_ =	shalt  }
0x68: {  	_ =	shalt  }
0x69: {  	_ =	shalt  }
0x6a: {  	_ =	shalt  }
0x6b: {  	_ =	shalt  }
0x6c: {  	_ =	shalt  }
0x6d: {  	_ =	shalt  }
0x6e: {  	_ =	shalt  }
0x6f: {  	_ =	shalt  }
0x70: {  	_ =	shalt  }
0x71: {  	_ =	shalt  }
0x72: {  	_ =	shalt  }
0x73: {  	_ =	shalt  }
0x74: {  	_ =	shalt  }
0x75: {  	_ =	shalt  }
0x76: {  	_ =	shalt  }
0x77: {  	_ =	shalt  }
0x78: {  	_ =	shalt  }
0x79: {  	_ =	shalt  }
0x7a: {  	_ =	shalt  }
0x7b: {  	_ =	shalt  }
0x7c: {  	_ =	shalt  }
0x7d: {  	_ =	shalt  }
0x7e: {  	_ =	shalt  }
0x7f: {  	_ =	shalt  }
0x80: {  	_ =	shalt  }
0x81: {  	_ =	shalt  }
0x82: {  	_ =	shalt  }
0x83: {  	_ =	shalt  }
0x84: {  	_ =	shalt  }
0x85: {  	_ =	shalt  }
0x86: {  	_ =	shalt  }
0x87: {  	_ =	shalt  }
.Lfunc_end0:
.L_simem_size_0:
called_computation.1_lowered:
.L_overlay_start_0:
0x88: {  	s2 =	sld [smem:$0x3FD9]  }
0x89: {  	s3 =	sld [smem:$0x3FFE];
	_ =	sdelay $0x1  }
0x8a: {  	s1 =	srdreg.scid  }
0x8b: {  	s0 =	sand.u32 $0x1, s1  }
0x8c: {  	s14 =	sshll.u32 s0, $0xA;
	s2 =	sadd.s32 s3, s2  }
0x8d: {  	s2 =	sadd.s32 s2, s14  }
0x8e: {  	[smem:$0x3FA3] =	sst s2  }
0x8f: {  	_ = 	snop  }
0x90: {  	s2 =	sld [smem:$0x3FD0];
	_ =	sdelay $0x2  }
0x91: {  	s15 =	simm.s32 $0xA;
	s4 =	simm.s32 $0x10  }
0x92: {  	[smem:s4], [sflag:s15] =	dma.local [hbm:s2], $0x1  }
0x93: {  	_ =	swait.eq [sflag:s15], $0x1  }
0x94: {  	[sflag:s15] =	ssyncset.done $0x0  }
0x95: {  	[sflag:s15] =	ssyncadd.s32 $0xFFFFFFFF  }
0x96: {  	s16 =	sld [smem:$0x11];
	(tm) =	ssettm $0x1  }
0x97: {  	s17 =	sld [smem:$0x3FFB];
	_ =	sdelay $0x3  }
0x98: {  	_ =	strace s17  }
0x99: {  	s3 =	sld [smem:$0x3FFC];
	_ =	sdelay $0x3  }
0x9a: {  	_ =	strace s3  }
0x9b: {  	s3 =	sld [smem:$0x3FFD];
	_ =	sdelay $0x3  }
0x9c: {  	_ =	strace s3  }
0x9d: {  	_ =	strace $0x8FFFFFFF  }
0x9e: {  	s18 =	sld [smem:$0x3FDB];
	_ =	sdelay $0x1  }
0x9f: {  	s19 =	simm.s32 $_scs_section_size  }
0xa0: {  	s5 =	simm.s32 $_size__tile_overlayer_lowered;
	s6 =	simm.s32 $_tile_overlayer_lowered  }
0xa1: {  	s22 =	simm.s32 $0x1BFF;
	s21 =	sshll.u32 s6, $0x1;
	s3 =	sadd.s32 s19, s18  }
0xa2: {  	s7 =	simm.s32 $0x0;
	s20 =	sshll.u32 s5, $0x1;
	s5 =	sadd.s32 s21, s3  }
0xa3: {  	[timem:s7], [sflag:s22] =	dma.local [hbm:s5], s20  }
0xa4: {  	_ =	swait.ge [sflag:s22], s20  }
0xa5: {  	s4 =	ssub.s32 $0x0, s20;
	[sflag:s22] =	ssyncset.done $0x0  }
0xa6: {  	[sflag:s22] =	ssyncadd.s32 s4;
	_ =	sdelay $0x1  }
0xa7: {  	s23 =	simm.s32 $0x1B8B  }
0xa8: {  	_ =	swait.ge [sflag:s23], $0x1  }
0xa9: {  	[sflag:s23] =	ssyncset.done $0x0  }
0xaa: {  	s25 =	simm.s32 $0x1B8E;
	s24 =	sld [smem:$0x3FFE];
	[sflag:s23] =	ssyncadd.s32 $0xFFFFFFFF  }
0xab: {  	s26 =	simm.s32 $execute0_lowered;
	[smem:$0x3FD2] =	sst s25  }
0xac: {  	s5 =	sshll.u32 s26, $0x1;
	_ =	strace $0x80000049;
	[dreg:$0x1] =	wrdreg $0xFFFFFFFF  }
0xad: {  	s28 =	simm.s32 $_size_execute0_lowered;
	s3 =	sadd.s32 s3, s5;
	[dreg:$0x0] =	wrdreg $0x0  }
0xae: {  	s5 =	sshll.u32 s28, $0x1;
	[dreg:$0x2] =	wrdreg s3  }
0xaf: {  	[dreg:$0x3] =	wrdreg s5  }
0xb0: {  	[dreg:$0x4] =	wrdreg $0xC0  }
0xb1: {  	_ =	task [dreg:s7], $0x5FFFF  }
0xb2: {  	[dreg:$0x1] =	wrdreg $0xFFFFFFFF  }
0xb3: {  	[dreg:$0x0] =	wrdreg $0x60  }
0xb4: {  	[dreg:$0x2] =	wrdreg s24  }
0xb5: {  	[dreg:$0x3] =	wrdreg s16  }
0xb6: {  	[dreg:$0x4] =	wrdreg $0x9  }
0xb7: {  	_ =	task.clear_ibuf [dreg:s7], $0x5FFFF;
	_ =	strace $0x90000049  }
0xb8: {  	s29 =	simm.s32 $0x9;
	_ =	strace $0x8000004B  }
0xb9: {  	_ =	swait.ge [sflag:s29], $0x1  }
0xba: {  	[sflag:s29] =	ssyncadd.s32 $0xFFFFFFFF  }
0xbb: {  	_ =	strace $0x9000004B  }
0xbc: {  	_ =	sfence  }
0xbd: {  	s30 =	sld [smem:$0x0];
	_ =	sdelay $0x2  }
0xbe: {  	s31 =	sshll.u32 s1, $0xD;
	s1 =	sshrl.u32 s1, $0x2  }
0xbf: {  	s3 =	sand.u32 $0x4000, s31;
	s1 =	sadd.s32 s1, s30  }
0xc0: {  	s0 =	sor.u32 s3, s0;
	s1 =	sshll.u32 s1, $0x11  }
0xc1: {  	s0 =	sor.u32 s1, s0  }
0xc2: {  	s0 =	sadd.s32 $0x8F2B, s0  }
0xc3: {  	[sflag:s0] =	ssyncadd.remote.s32 $0x1  }
0xc4: {  	_ =	sfence.sel $0xFFFF  }
0xc5: {  	[dreg:$0x0] =	wrdreg $0xFFFFFFFF;
	(pc) =	sbr.abs _section_cstart, $3  }
0xc6: {  	[dreg:$0x1] =	wrdreg $0xFFFFFFFF  }
0xc7: {  	_ =	task.clear_ibuf [dreg:s7], $0x2FFFF;
	_ =	strace $0x9FFFFFFF  }
0xc8: {  	(tm) =	ssettm $0x7FFFFFFF  }
0xc9: {  	_ =	shalt  }
tec
execute0_lowered:
.L_overlay_start_1:
0x0: {  	(tag) =	ssettag $0x1  }
0x1: {  	s2 =	rddreg [dreg:$0x0]  }
0x2: {  	s3 =	rddreg [dreg:$0x1]  }
0x3: {  	s0 =	rddreg [dreg:$0x2];
	s1 =	srdreg.scid;
	_ =	strace $0x8000004A  }
0x4: {  	s4 =	simm.s32 $0x1;
	s9 =	simm.s32 $0x3;
	s5 =	sshll.u32 s1, $0x4  }
.Ltmp0:
0x5: {  	s1 =	stileid.u32;
	s5 =	sand.u32 $0x10, s5;
	(pc) =	sbr.rel .LBB2_1-.Ltmp0, $4  }
0x6: {  	s11 =	simm.s32 $0x0;
	p0 =	por $0x0, $0x0;
	s6 =	sor.u32 s1, s5  }
0x7: {  	[sflag:s4] =	ssyncpa.u1 $0x0;
	s5 =	simm.s32 $0x2;
	s6 =	sshll.u32 s6, $0xB  }
0x8: {  	s7 =	sadd.s32 $0x2DD800, s2;
	[sflag:s5] =	ssyncpa.u1 $0x0;
	s8 =	sadd.s32 $0x800, s6  }
0x9: {  	vm0 =	vmmov $0xff;
	vm1 =	vcmask $0x3F20;
	[sflag:s9] =	ssyncpa.u1 $0x0;
	s10 =	smov.u32 s6;
	s9 =	simm.s32 $0x0  }
.LBB2_7:
0xa: {  	p1 =	slt.u32 s9, $0x2;
	s11 =	sadd.s32 $0x100, s10  }
0xb: {  	s13 =	smov.u32 s6;
	s9 =	sadd.s32 $0x1, s9;
	p2 =	slt.s32 s11, s8  }
0xc: {  	s13 =	smov.u32 @p2 s11;
	p2 =	sne.s32 s9, $0xA  }
.Ltmp1:
0xd: {  	_ = 	snop;
	(pc) =	sbr.rel @!p2 .LBB2_8-.Ltmp1, $4  }
0xe: {  	s12 =	simm.s32 @!p1 $0x3  }
0xf: {  	_ =	swait.ge @!p1 [sflag:s12], $0x8000  }
0x10: {  	p0 =	por !p0, !p0;
	[sflag:s12] =	ssyncset.done @!p1 $0x0  }
0x11: {  	s11 =	smov.u32 s10;
	s10 =	smov.u32 s13;
	[sflag:s12] =	ssyncadd.s32 @!p1 $0xFFFF8000  }
.LBB2_1:
0x12: {  	p1 =	sgt.u32 s9, $0x7  }
0x13: {  	s12 =	sxor.u32 @!p1 $0xFFFFFFFF, s9  }
0x14: {  	s13 =	sshrl.u32 @!p1 s10, $0x3;
	s12 =	sshll.u32 @!p1 s12, $0x8  }
0x15: {  	s14 =	sand.u32 @!p1 $0x7, s10;
	s13 =	sadd.s32 @!p1 s3, s13;
	s12 =	sand.u32 @!p1 $0x100, s12  }
0x16: {  	[tilespmem:s12], [sflag:$0x2] =	stream.linear.gather @!p1 [hbm4b:s13+s14], $0x100, $0x38;
	[tilespmem:$0x10200] =	vst v63  }
0x17: {  	p1 =	seq.s32 s9, $0x0  }
0x18: {  	p2 =	seq.s32 @!p1 s9, $0x9  }
0x19: {  	p1 =	por p1, p2  }
.Ltmp2:
0x1a: {  	_ = 	snop;
	(pc) =	sbr.rel @p1 .LBB2_7-.Ltmp2, $1  }
0x1b: {  	_ =	sdelay $0x3  }
0x1c: {  	s12 =	simm.s32 $0x1  }
0x1d: {  	_ =	swait.ge [sflag:s5], $0x100;
	s12 =	simm.s32 @!p0 $0x0  }
0x1e: {  	[sflag:s5] =	ssyncset.done $0x0;
	s14 =	sshll.u32 s12, $0x8  }
0x1f: {  	[sflag:s5] =	ssyncadd.s32 $0xFFFFFF00;
	s13 =	sadd.s32 $0x0, s14  }
0x20: {  	v0 =	vld.msk [tilespmem:s13+$0x0 ss:$0x1], $0xffff;
	_ =	sdelay $0x4  }
0x21: {  	v1 =	vand.u32 $0x7, v0;
	v2 =	vshll.u32 v0, $0x4  }
0x22: {  	vm2 =	veq.s32 v0, $0x80000000;
	v0 =	vmul.u32 $0x271000, v1;
	v1 =	vand.u32 $0x3FFF80, v2  }
0x23: {  	v1 =	vsel vm2, $0xFFFFFF80, v1  }
0x24: {  	v0 =	vsel vm2, $0xFFD8F000, v0;
	v2 =	vand.u32 $0xFFFFFC00, v1  }
0x25: {  	v1 =	vand.u32 $0x380, v1;
	v0 =	vadd.s32 v0, v2  }
0x26: {  	v0 =	vor.u32 v1, v0  }
0x27: {  	v0 =	vshrl.u32 v0, $0x3;
	_ =	sdelay $0x2  }
0x28: {  	s12 =	sshll.u32 s12, $0xF  }
0x29: {  	s12 =	sor.u32 $0x200, s12  }
0x2a: {  	[tilespmem:s12], [sflag:$0x1] =	stream.indirect_vreg.gather [hbm:s2], $0x80, v0, vm0, $0x38;
	[tilespmem:$0x10200] =	vst v63  }
0x2b: {  	s15 =	sadd.s32 $0x10, s14;
	s13 =	sadd.s32 $0x400, s12  }
0x2c: {  	[tilespmem:s13], [sflag:$0x1] =	stream.indirect_vreg.gather [hbm:s2], $0x80, v0, vm1, $0x38;
	[tilespmem:$0x10200] =	vst v63  }
0x2d: {  	s16 =	simm.s32 $0x80;
	v0 =	vld.msk [tilespmem:s15+$0x0 ss:$0x1], $0xffff;
	s15 =	smov.u32 s12  }
.LBB2_3:
0x2e: {  	p1 =	sne.s32 s16, $0x3C0;
	_ =	sdelay $0x4  }
0x2f: {  	v1 =	vand.u32 $0x7, v0;
	v2 =	vshll.u32 v0, $0x4  }
0x30: {  	vm2 =	veq.s32 v0, $0x80000000;
	v0 =	vmul.u32 $0x271000, v1;
	v1 =	vand.u32 $0x3FFF80, v2  }
0x31: {  	v1 =	vsel vm2, $0xFFFFFF80, v1  }
0x32: {  	v0 =	vsel vm2, $0xFFD8F000, v0;
	v2 =	vand.u32 $0xFFFFFC00, v1  }
0x33: {  	v1 =	vand.u32 $0x380, v1;
	v0 =	vadd.s32 v0, v2  }
0x34: {  	v0 =	vor.u32 v1, v0  }
0x35: {  	v0 =	vshrl.u32 v0, $0x3;
	_ =	sdelay $0x3  }
.Ltmp3:
0x36: {  	s17 =	sshra.s32 s16, $0x2;
	s15 =	sadd.s32 $0x800, s15;
	(pc) =	sbr.rel @p1 .LBB2_3-.Ltmp3, $4  }
0x37: {  	[tilespmem:s15], [sflag:$0x1] =	stream.indirect_vreg.gather [hbm:s2], $0x80, v0, vm0, $0x38;
	[tilespmem:$0x10200] =	vst v63  }
0x38: {  	s17 =	sadd.s32 s17, s14;
	s18 =	sadd.s32 $0x400, s15  }
0x39: {  	[tilespmem:s18], [sflag:$0x1] =	stream.indirect_vreg.gather [hbm:s2], $0x80, v0, vm1, $0x38;
	[tilespmem:$0x10200] =	vst v63  }
0x3a: {  	s16 =	sadd.s32 $0x40, s16;
	v0 =	vld.msk [tilespmem:s17+$0x0 ss:$0x1], $0xffff  }
0x3b: {  	_ =	sdelay $0x3  }
0x3c: {  	v1 =	vand.u32 $0x7, v0;
	v2 =	vshll.u32 v0, $0x4  }
0x3d: {  	vm2 =	veq.s32 v0, $0x80000000;
	v61 =	vmul.u32 $0x271000, v1;
	v62 =	vand.u32 $0x3FFF80, v2  }
0x3e: {  	v1 =	vsel vm2, $0xFFFFFF80, v62  }
0x3f: {  	v0 =	vsel vm2, $0xFFD8F000, v61;
	v63 =	vand.u32 $0xFFFFFC00, v1  }
0x40: {  	v1 =	vand.u32 $0x380, v1;
	v0 =	vadd.s32 v0, v63  }
0x41: {  	v0 =	vor.u32 v1, v0  }
0x42: {  	v0 =	vshrl.u32 v0, $0x3;
	_ =	sdelay $0x3  }
0x43: {  	s14 =	sadd.s32 $0x800, s15  }
0x44: {  	[tilespmem:s14], [sflag:$0x1] =	stream.indirect_vreg.gather [hbm:s2], $0x80, v0, vm0, $0x38;
	[tilespmem:$0x10200] =	vst v63  }
0x45: {  	s14 =	sadd.s32 $0x400, s14  }
0x46: {  	[tilespmem:s14], [sflag:$0x1] =	stream.indirect_vreg.gather [hbm:s2], $0x80, v0, vm1, $0x38;
	[tilespmem:$0x10200] =	vst v63  }
0x47: {  	s11 =	sshll.u32 s11, $0x4;
	_ =	swait.ge [sflag:s4], $0x8000  }
0x48: {  	s11 =	sadd.s32 s11, s7;
	[sflag:s4] =	ssyncset.done $0x0  }
0x49: {  	s15 =	sadd.s32 $0x0, s11;
	s14 =	simm.s32 $0x80;
	[sflag:s4] =	ssyncadd.s32 $0xFFFF8000  }
.LBB2_5:
0x4a: {  	[hbm:s15] =	stream.linear.scatter [tilespmem:s12], [sflag:$0x3], $0x400, $0x38;
	[tilespmem:$0x10200] =	vst v63  }
0x4b: {  	s15 =	smov.u32 s14;
	s12 =	smov.u32 s13;
	p1 =	sne.s32 s14, $0xF80  }
.Ltmp4:
0x4c: {  	s14 =	sadd.s32 $0x80, s14;
	(pc) =	sbr.rel @p1 .LBB2_5-.Ltmp4, $2  }
0x4d: {  	_ =	sdelay $0x2  }
0x4e: {  	s13 =	sadd.s32 $0x400, s13;
	s15 =	sadd.s32 s15, s11  }
.Ltmp5:
0x4f: {  	(pc) =	sbr.rel .LBB2_7-.Ltmp5, $2  }
0x50: {  	_ =	sdelay $0x2  }
0x51: {  	[hbm:s15] =	stream.linear.scatter [tilespmem:s12], [sflag:$0x3], $0x400, $0x38;
	[tilespmem:$0x10200] =	vst v63  }
.LBB2_8:
0x52: {  	_ =	sfence.sel $0x180000  }
0x53: {  	s2 =	simm.s32 $0x2;
	[bflag:$0x0] =	sbarrier.arrive $0xFFFF  }
0x54: {  	s30 =	simm.s32 $0x3;
	[sflag:s2] =	ssyncpa.u1 $0x1  }
0x55: {  	s31 =	simm.s32 $0x1;
	[sflag:s30] =	ssyncpa.u1 $0x1  }
0x56: {  	[sflag:s31] =	ssyncpa.u1 $0x1  }
0x57: {  	p0 =	sne.s32 s1, $0x0;
	_ =	strace $0x9000004A  }
0x58: {  	s0 =	sadd.s32 @!p0 $0x100000, s0;
	[bflag:$0x2] =	sbarrier.arrive $0xFFFF  }
0x59: {  	[sflag:s0] =	ssyncadd.tile.s32 @!p0 $0x1;
	_ =	shalt  }
.Lfunc_end2:
_tile_overlayer_lowered:
.L_overlay_start_2:
0x5a: {  	(tag) =	ssettag $0x2  }
0x5b: {  	s0 =	rddreg [dreg:$0x0];
	s2 =	stileid.u32  }
0x5c: {  	s1 =	rddreg [dreg:$0x1];
	p0 =	sne.s32 s2, $0x0  }
0x5d: {  	s3 =	rddreg [dreg:$0x2];
	[bflag:$0x3] =	sbarrier.arrive $0xFFFF;
	s2 =	simm.s32 @!p0 $0x1C01  }
0x5e: {  	[timem:s3], [sflag:s2] =	dma.local @!p0 [hbm:s0], s1  }
0x5f: {  	s0 =	simm.s32 @!p0 $0x1  }
0x60: {  	_ =	swait.ge @!p0 [sflag:s0], s1  }
0x61: {  	s1 =	ssub.s32 @!p0 $0x0, s1;
	[sflag:s0] =	ssyncset.done @!p0 $0x0  }
0x62: {  	[sflag:s0] =	ssyncadd.s32 @!p0 s1  }
0x63: {  	[bflag:$0x3] =	sbarrier.arrive $0xFFFF  }
0x64: {  	_ =	shalt  }

// kernel: gather_offload_async_start
scs
__scs_entry_jumppad:
0x0: {  	(pc) =	sbr.rel $0x88, $3  }
0x1: {  	(tag) =	ssettag $0x0;
	lr =	simm.s32 $0x1  }
0x2: {  	[smem:$0x3F7C] =	sst lr;
	_ =	strace $0xD0000000  }
0x3: {  	_ = 	snop  }
0x4: {  	_ = 	snop  }
0x5: {  	_ = 	snop  }
0x6: {  	_ = 	snop  }
0x7: {  	_ = 	snop  }
__scs_overlays_trampoline_lowered:
0x8: {  	[smem:$0x3F8B] =	sst s0  }
0x9: {  	[smem:$0x3F8C] =	sst s1  }
0xa: {  	[smem:$0x3F8D] =	sst s2  }
0xb: {  	[smem:$0x3F8E] =	sst s3  }
0xc: {  	[smem:$0x3F8F] =	sst s4  }
0xd: {  	[smem:$0x3F90] =	sst s5  }
0xe: {  	[smem:$0x3F91] =	sst s6  }
0xf: {  	[smem:$0x3F92] =	sst s7  }
0x10: {  	[smem:$0x3F93] =	sst s8  }
0x11: {  	[smem:$0x3F94] =	sst s9;
	s0 =	simm.s32 @!p0 $0x0  }
0x12: {  	s1 =	sld [smem:$0x3F7A];
	s0 =	simm.s32 @p0 $0x1  }
0x13: {  	[smem:$0x3F95] =	sst s0;
	s0 =	simm.s32 @!p1 $0x0  }
0x14: {  	s2 =	sld [smem:$0x3F79];
	s0 =	simm.s32 @p1 $0x1  }
0x15: {  	[smem:$0x3F96] =	sst s0;
	s0 =	simm.s32 @!p2 $0x0  }
0x16: {  	s3 =	sld [smem:$0x3FDB];
	s0 =	simm.s32 @p2 $0x1  }
0x17: {  	s4 =	simm.s32 $0x1BF5;
	[smem:$0x3F98] =	sst s0  }
0x18: {  	s0 =	sld [smem:$0x3F7B];
	_ =	swait.ge [sflag:s4], $0x0  }
0x19: {  	s7 =	sld [smem:$0x3F7C]  }
0x1a: {  	s8 =	sadd.s32 $0xFFFFE003, lr  }
0x1b: {  	s9 =	sadd.s32 $0xFFFFFEF7, lr;
	s5 =	simm.s32 $0xFFFFFFFF;
	p2 =	slt.u32 s8, $0xFFFFF086  }
0x1c: {  	p1 =	slt.u32 s9, $0xF7A;
	s5 =	simm.s32 @!p2 $0x0  }
0x1d: {  	s5 =	simm.s32 @p1 $0x1;
	p0 =	seq.s32 s7, s2  }
0x1e: {  	s7 =	smul.u32 @!p0 $0xF7A, s2;
	p2 =	seq.s32 @!p0 s5, $0x0  }
0x1f: {  	s9 =	smul.u32 $0xF7A, s1;
	s8 =	simm.s32 @!p0 $0x1BF5;
	p2 =	por !p2, p0  }
0x20: {  	[sflag:s8] =	ssyncset.s32 @!p0 $0xFFFFF086;
	s6 =	sadd.s32 @!p0 s3, s7;
	s7 =	simm.s32 @!p0 $0x108  }
0x21: {  	s3 =	sadd.s32 s3, s9;
	s6 =	sadd.s32 @!p0 $0x88, s6;
	s7 =	simm.s32 @p2 $0x1082  }
0x22: {  	[simem:s7], [sflag:s8] =	dma.local @!p0 [hbm:s6], $0xF7A  }
0x23: {  	s9 =	sor.u32 $0xD0000000, s2;
	s6 =	simm.s32 $0x108;
	_ =	swait.ge @!p0 [sflag:s8], $0x0  }
0x24: {  	s3 =	sadd.s32 $0x88, s3;
	s6 =	simm.s32 @!p1 $0x1082;
	[sflag:s4] =	ssyncset.s32 $0xFFFFF086  }
0x25: {  	[simem:s6], [sflag:s4] =	dma.local [hbm:s3], $0xF7A  }
0x26: {  	[smem:$0x3F7C] =	sst s1;
	(tag) =	ssettag s2;
	_ =	strace s9  }
0x27: {  	s1 =	sld [smem:$0x3F8C]  }
0x28: {  	s2 =	sld [smem:$0x3F8D]  }
0x29: {  	s4 =	sld [smem:$0x3F8F]  }
0x2a: {  	p0 =	seq.s32 s5, $0x0;
	s5 =	sld [smem:$0x3F90]  }
0x2b: {  	s6 =	sld [smem:$0x3F91]  }
0x2c: {  	s7 =	sld [smem:$0x3F92]  }
0x2d: {  	s3 =	simm.s32 $0x108;
	s8 =	sld [smem:$0x3F93]  }
0x2e: {  	s3 =	simm.s32 @!p0 $0x1082;
	s9 =	sld [smem:$0x3F94]  }
0x2f: {  	lr =	sadd.s32 s0, s3;
	s0 =	sld [smem:$0x3F8B]  }
0x30: {  	s3 =	sld [smem:$0x3F8E]  }
0x31: {  	[smem:$0x3F97] =	sst s10  }
0x32: {  	s10 =	sld [smem:$0x3F95];
	_ =	sdelay $0x3  }
0x33: {  	p0 =	seq.s32 s10, $0x1;
	s10 =	sld [smem:$0x3F97];
	_ =	sdelay $0x3  }
0x34: {  	[smem:$0x3F97] =	sst s10  }
0x35: {  	s10 =	sld [smem:$0x3F96];
	_ =	sdelay $0x3  }
0x36: {  	p1 =	seq.s32 s10, $0x1;
	s10 =	sld [smem:$0x3F97];
	_ =	sdelay $0x3  }
0x37: {  	[smem:$0x3F97] =	sst s10  }
0x38: {  	s10 =	sld [smem:$0x3F98]  }
0x39: {  	_ = 	snop;
	(pc) =	sbr.ind lr, $3  }
0x3a: {  	_ = 	snop  }
0x3b: {  	_ = 	snop  }
0x3c: {  	p2 =	seq.s32 s10, $0x1;
	s10 =	sld [smem:$0x3F97]  }
0x3d: {  	_ =	shalt  }
0x3e: {  	_ =	shalt  }
0x3f: {  	_ =	shalt  }
0x40: {  	_ =	shalt  }
0x41: {  	_ =	shalt  }
0x42: {  	_ =	shalt  }
0x43: {  	_ =	shalt  }
0x44: {  	_ =	shalt  }
0x45: {  	_ =	shalt  }
0x46: {  	_ =	shalt  }
0x47: {  	_ =	shalt  }
0x48: {  	_ =	shalt  }
0x49: {  	_ =	shalt  }
0x4a: {  	_ =	shalt  }
0x4b: {  	_ =	shalt  }
0x4c: {  	_ =	shalt  }
0x4d: {  	_ =	shalt  }
0x4e: {  	_ =	shalt  }
0x4f: {  	_ =	shalt  }
0x50: {  	_ =	shalt  }
0x51: {  	_ =	shalt  }
0x52: {  	_ =	shalt  }
0x53: {  	_ =	shalt  }
0x54: {  	_ =	shalt  }
0x55: {  	_ =	shalt  }
0x56: {  	_ =	shalt  }
0x57: {  	_ =	shalt  }
0x58: {  	_ =	shalt  }
0x59: {  	_ =	shalt  }
0x5a: {  	_ =	shalt  }
0x5b: {  	_ =	shalt  }
0x5c: {  	_ =	shalt  }
0x5d: {  	_ =	shalt  }
0x5e: {  	_ =	shalt  }
0x5f: {  	_ =	shalt  }
0x60: {  	_ =	shalt  }
0x61: {  	_ =	shalt  }
0x62: {  	_ =	shalt  }
0x63: {  	_ =	shalt  }
0x64: {  	_ =	shalt  }
0x65: {  	_ =	shalt  }
0x66: {  	_ =	shalt  }
0x67: {  	_ =	shalt  }
0x68: {  	_ =	shalt  }
0x69: {  	_ =	shalt  }
0x6a: {  	_ =	shalt  }
0x6b: {  	_ =	shalt  }
0x6c: {  	_ =	shalt  }
0x6d: {  	_ =	shalt  }
0x6e: {  	_ =	shalt  }
0x6f: {  	_ =	shalt  }
0x70: {  	_ =	shalt  }
0x71: {  	_ =	shalt  }
0x72: {  	_ =	shalt  }
0x73: {  	_ =	shalt  }
0x74: {  	_ =	shalt  }
0x75: {  	_ =	shalt  }
0x76: {  	_ =	shalt  }
0x77: {  	_ =	shalt  }
0x78: {  	_ =	shalt  }
0x79: {  	_ =	shalt  }
0x7a: {  	_ =	shalt  }
0x7b: {  	_ =	shalt  }
0x7c: {  	_ =	shalt  }
0x7d: {  	_ =	shalt  }
0x7e: {  	_ =	shalt  }
0x7f: {  	_ =	shalt  }
0x80: {  	_ =	shalt  }
0x81: {  	_ =	shalt  }
0x82: {  	_ =	shalt  }
0x83: {  	_ =	shalt  }
0x84: {  	_ =	shalt  }
0x85: {  	_ =	shalt  }
0x86: {  	_ =	shalt  }
0x87: {  	_ =	shalt  }
.Lfunc_end0:
.L_simem_size_0:
called_computation_lowered:
.L_overlay_start_0:
0x88: {  	s2 =	sld [smem:$0x3FD9]  }
0x89: {  	s3 =	sld [smem:$0x3FFE];
	_ =	sdelay $0x1  }
0x8a: {  	s1 =	srdreg.scid  }
0x8b: {  	s0 =	sand.u32 $0x1, s1  }
0x8c: {  	s14 =	sshll.u32 s0, $0xA;
	s2 =	sadd.s32 s3, s2  }
0x8d: {  	s2 =	sadd.s32 s2, s14  }
0x8e: {  	[smem:$0x3FA3] =	sst s2  }
0x8f: {  	_ = 	snop  }
0x90: {  	s2 =	sld [smem:$0x3FD0];
	_ =	sdelay $0x2  }
0x91: {  	s15 =	simm.s32 $0xA;
	s4 =	simm.s32 $0x10  }
0x92: {  	[smem:s4], [sflag:s15] =	dma.local [hbm:s2], $0x1  }
0x93: {  	_ =	swait.eq [sflag:s15], $0x1  }
0x94: {  	[sflag:s15] =	ssyncset.done $0x0  }
0x95: {  	[sflag:s15] =	ssyncadd.s32 $0xFFFFFFFF  }
0x96: {  	s16 =	sld [smem:$0x10];
	(tm) =	ssettm $0x1  }
0x97: {  	s17 =	sld [smem:$0x3FFB];
	_ =	sdelay $0x3  }
0x98: {  	_ =	strace s17  }
0x99: {  	s3 =	sld [smem:$0x3FFC];
	_ =	sdelay $0x3  }
0x9a: {  	_ =	strace s3  }
0x9b: {  	s3 =	sld [smem:$0x3FFD];
	_ =	sdelay $0x3  }
0x9c: {  	_ =	strace s3  }
0x9d: {  	_ =	strace $0x8FFFFFFF  }
0x9e: {  	s18 =	sld [smem:$0x3FDB];
	_ =	sdelay $0x1  }
0x9f: {  	s19 =	simm.s32 $_scs_section_size  }
0xa0: {  	s5 =	simm.s32 $_size__tile_overlayer_lowered;
	s6 =	simm.s32 $_tile_overlayer_lowered  }
0xa1: {  	s22 =	simm.s32 $0x1BFF;
	s21 =	sshll.u32 s6, $0x1;
	s3 =	sadd.s32 s19, s18  }
0xa2: {  	s7 =	simm.s32 $0x0;
	s20 =	sshll.u32 s5, $0x1;
	s5 =	sadd.s32 s21, s3  }
0xa3: {  	[timem:s7], [sflag:s22] =	dma.local [hbm:s5], s20  }
0xa4: {  	_ =	swait.ge [sflag:s22], s20  }
0xa5: {  	s4 =	ssub.s32 $0x0, s20;
	[sflag:s22] =	ssyncset.done $0x0  }
0xa6: {  	[sflag:s22] =	ssyncadd.s32 s4;
	_ =	sdelay $0x1  }
0xa7: {  	s23 =	simm.s32 $0x1B8B  }
0xa8: {  	_ =	swait.ge [sflag:s23], $0x1  }
0xa9: {  	[sflag:s23] =	ssyncset.done $0x0  }
0xaa: {  	s25 =	simm.s32 $0x1B8E;
	s24 =	sld [smem:$0x3FFE];
	[sflag:s23] =	ssyncadd.s32 $0xFFFFFFFF  }
0xab: {  	s26 =	simm.s32 $execute0_lowered;
	[smem:$0x3FD2] =	sst s25  }
0xac: {  	s5 =	sshll.u32 s26, $0x1;
	_ =	strace $0x80000046;
	[dreg:$0x1] =	wrdreg $0xFFFFFFFF  }
0xad: {  	s28 =	simm.s32 $_size_execute0_lowered;
	s3 =	sadd.s32 s3, s5;
	[dreg:$0x0] =	wrdreg $0x0  }
0xae: {  	s5 =	sshll.u32 s28, $0x1;
	[dreg:$0x2] =	wrdreg s3  }
0xaf: {  	[dreg:$0x3] =	wrdreg s5  }
0xb0: {  	[dreg:$0x4] =	wrdreg $0xC0  }
0xb1: {  	_ =	task [dreg:s7], $0x5FFFF  }
0xb2: {  	[dreg:$0x1] =	wrdreg $0xFFFFFFFF  }
0xb3: {  	[dreg:$0x0] =	wrdreg $0x60  }
0xb4: {  	[dreg:$0x2] =	wrdreg s24  }
0xb5: {  	[dreg:$0x3] =	wrdreg s16  }
0xb6: {  	[dreg:$0x4] =	wrdreg $0x9  }
0xb7: {  	_ =	task.clear_ibuf [dreg:s7], $0x5FFFF;
	_ =	strace $0x90000046  }
0xb8: {  	s29 =	simm.s32 $0x9;
	_ =	strace $0x80000048  }
0xb9: {  	_ =	swait.ge [sflag:s29], $0x1  }
0xba: {  	[sflag:s29] =	ssyncadd.s32 $0xFFFFFFFF  }
0xbb: {  	_ =	strace $0x90000048  }
0xbc: {  	_ =	sfence  }
0xbd: {  	s30 =	sld [smem:$0x0];
	_ =	sdelay $0x2  }
0xbe: {  	s31 =	sshll.u32 s1, $0xD;
	s1 =	sshrl.u32 s1, $0x2  }
0xbf: {  	s3 =	sand.u32 $0x4000, s31;
	s1 =	sadd.s32 s1, s30  }
0xc0: {  	s0 =	sor.u32 s3, s0;
	s1 =	sshll.u32 s1, $0x11  }
0xc1: {  	s0 =	sor.u32 s1, s0  }
0xc2: {  	s0 =	sadd.s32 $0x8F2B, s0  }
0xc3: {  	[sflag:s0] =	ssyncadd.remote.s32 $0x1  }
0xc4: {  	_ =	sfence.sel $0xFFFF  }
0xc5: {  	[dreg:$0x0] =	wrdreg $0xFFFFFFFF;
	(pc) =	sbr.abs _section_cstart, $3  }
0xc6: {  	[dreg:$0x1] =	wrdreg $0xFFFFFFFF  }
0xc7: {  	_ =	task.clear_ibuf [dreg:s7], $0x2FFFF;
	_ =	strace $0x9FFFFFFF  }
0xc8: {  	(tm) =	ssettm $0x7FFFFFFF  }
0xc9: {  	_ =	shalt  }
tec
execute0_lowered:
.L_overlay_start_1:
0x0: {  	(tag) =	ssettag $0x1  }
0x1: {  	s2 =	rddreg [dreg:$0x0]  }
0x2: {  	s3 =	rddreg [dreg:$0x1]  }
0x3: {  	s0 =	rddreg [dreg:$0x2];
	s1 =	srdreg.scid;
	_ =	strace $0x80000047  }
0x4: {  	s4 =	simm.s32 $0x1;
	s9 =	simm.s32 $0x3;
	s5 =	sshll.u32 s1, $0x4  }
.Ltmp0:
0x5: {  	s1 =	stileid.u32;
	s5 =	sand.u32 $0x10, s5;
	(pc) =	sbr.rel .LBB2_1-.Ltmp0, $4  }
0x6: {  	s12 =	simm.s32 $0x0;
	s10 =	simm.s32 $0x0;
	s6 =	sor.u32 s1, s5  }
0x7: {  	[sflag:s4] =	ssyncpa.u1 $0x0;
	s5 =	simm.s32 $0x2;
	s6 =	sshll.u32 s6, $0x6  }
0x8: {  	s7 =	sadd.s32 $0x271000, s2;
	[sflag:s5] =	ssyncpa.u1 $0x0;
	s8 =	sadd.s32 $0x40, s6  }
0x9: {  	vm0 =	vmmov $0xff;
	vm1 =	vcmask $0x3F20;
	[sflag:s9] =	ssyncpa.u1 $0x0;
	s9 =	simm.s32 $0x40;
	s11 =	smov.u32 s6  }
.LBB2_9:
0xa: {  	p0 =	seq.s32 s10, $0x2  }
.Ltmp1:
0xb: {  	_ = 	snop;
	(pc) =	sbr.rel @p0 .LBB2_11-.Ltmp1, $1  }
0xc: {  	_ =	sdelay $0x3  }
.LBB2_10:
0xd: {  	s12 =	sadd.s32 $0x40, s11  }
0xe: {  	s13 =	smov.u32 s6;
	p0 =	slt.s32 s12, s8  }
0xf: {  	s13 =	smov.u32 @p0 s12  }
0x10: {  	s10 =	sadd.s32 $0x1, s10;
	s12 =	smov.u32 s11;
	s11 =	smov.u32 s13  }
.LBB2_1:
0x11: {  	p0 =	sne.s32 s10, $0x0  }
.Ltmp2:
0x12: {  	_ = 	snop;
	(pc) =	sbr.rel @!p0 .LBB2_2-.Ltmp2, $1  }
0x13: {  	_ =	sdelay $0x3  }
0x14: {  	s13 =	sand.u32 $0x1, s10  }
0x15: {  	p0 =	seq.s32 s13, $0x0  }
.Ltmp3:
0x16: {  	_ = 	snop;
	(pc) =	sbr.rel @p0 .LBB2_9-.Ltmp3, $1  }
0x17: {  	_ =	sdelay $0x3  }
0x18: {  	_ =	swait.ge [sflag:s5], $0x40  }
0x19: {  	[sflag:s5] =	ssyncset.done $0x0  }
0x1a: {  	s13 =	simm.s32 $0x0;
	[sflag:s5] =	ssyncadd.s32 $0xFFFFFFC0  }
0x1b: {  	v0 =	vld.msk [tilespmem:s13+$0x40 ss:$0x1], $0xffff;
	_ =	sdelay $0x4  }
0x1c: {  	v1 =	vand.u32 $0x7, v0;
	v2 =	vshll.u32 v0, $0x4  }
0x1d: {  	vm2 =	veq.s32 v0, $0x80000000;
	v0 =	vmul.u32 $0x271000, v1;
	v1 =	vand.u32 $0x3FFF80, v2  }
0x1e: {  	v1 =	vsel vm2, $0xFFFFFF80, v1  }
0x1f: {  	v0 =	vsel vm2, $0xFFD8F000, v0;
	v2 =	vand.u32 $0xFFFFFC00, v1  }
0x20: {  	v1 =	vand.u32 $0x380, v1;
	v0 =	vadd.s32 v0, v2  }
0x21: {  	v0 =	vor.u32 v1, v0  }
0x22: {  	v0 =	vshrl.u32 v0, $0x3;
	_ =	sdelay $0x3  }
0x23: {  	s13 =	simm.s32 $0x2080  }
0x24: {  	[tilespmem:s13], [sflag:$0x1] =	stream.indirect_vreg.gather [hbm:s2], $0x80, v0, vm0, $0x38;
	[tilespmem:$0x4080] =	vst v63  }
0x25: {  	s14 =	simm.s32 $0x2480;
	s31 =	simm.s32 $0x10  }
0x26: {  	[tilespmem:s14], [sflag:$0x1] =	stream.indirect_vreg.gather [hbm:s2], $0x80, v0, vm1, $0x38;
	[tilespmem:$0x4080] =	vst v63  }
0x27: {  	s14 =	simm.s32 $0x80;
	v0 =	vld.msk [tilespmem:s31+$0x40 ss:$0x1], $0xffff  }
.LBB2_5:
0x28: {  	p0 =	sne.s32 s14, $0xC0;
	_ =	sdelay $0x4  }
0x29: {  	v1 =	vand.u32 $0x7, v0;
	v2 =	vshll.u32 v0, $0x4  }
0x2a: {  	vm2 =	veq.s32 v0, $0x80000000;
	v0 =	vmul.u32 $0x271000, v1;
	v1 =	vand.u32 $0x3FFF80, v2  }
0x2b: {  	v1 =	vsel vm2, $0xFFFFFF80, v1  }
0x2c: {  	v0 =	vsel vm2, $0xFFD8F000, v0;
	v2 =	vand.u32 $0xFFFFFC00, v1  }
0x2d: {  	v1 =	vand.u32 $0x380, v1;
	v0 =	vadd.s32 v0, v2  }
0x2e: {  	v0 =	vor.u32 v1, v0  }
0x2f: {  	v0 =	vshrl.u32 v0, $0x3;
	_ =	sdelay $0x3  }
.Ltmp4:
0x30: {  	s13 =	sadd.s32 $0x800, s13;
	(pc) =	sbr.rel @p0 .LBB2_5-.Ltmp4, $4  }
0x31: {  	[tilespmem:s13], [sflag:$0x1] =	stream.indirect_vreg.gather [hbm:s2], $0x80, v0, vm0, $0x38;
	[tilespmem:$0x4080] =	vst v63  }
0x32: {  	s15 =	sshra.s32 s14, $0x2;
	s16 =	sadd.s32 $0x400, s13  }
0x33: {  	[tilespmem:s16], [sflag:$0x1] =	stream.indirect_vreg.gather [hbm:s2], $0x80, v0, vm1, $0x38;
	[tilespmem:$0x4080] =	vst v63  }
0x34: {  	s14 =	sadd.s32 $0x40, s14;
	v0 =	vld.msk [tilespmem:s15+$0x40 ss:$0x1], $0xffff  }
0x35: {  	_ =	sdelay $0x3  }
0x36: {  	v1 =	vand.u32 $0x7, v0;
	v2 =	vshll.u32 v0, $0x4  }
0x37: {  	vm2 =	veq.s32 v0, $0x80000000;
	v61 =	vmul.u32 $0x271000, v1;
	v62 =	vand.u32 $0x3FFF80, v2  }
0x38: {  	v1 =	vsel vm2, $0xFFFFFF80, v62  }
0x39: {  	v0 =	vsel vm2, $0xFFD8F000, v61;
	v63 =	vand.u32 $0xFFFFFC00, v1  }
0x3a: {  	v1 =	vand.u32 $0x380, v1;
	v0 =	vadd.s32 v0, v63  }
0x3b: {  	v0 =	vor.u32 v1, v0  }
0x3c: {  	v0 =	vshrl.u32 v0, $0x3;
	_ =	sdelay $0x3  }
0x3d: {  	s13 =	sadd.s32 $0x800, s13  }
0x3e: {  	[tilespmem:s13], [sflag:$0x1] =	stream.indirect_vreg.gather [hbm:s2], $0x80, v0, vm0, $0x38;
	[tilespmem:$0x4080] =	vst v63  }
0x3f: {  	s13 =	sadd.s32 $0x400, s13  }
0x40: {  	[tilespmem:s13], [sflag:$0x1] =	stream.indirect_vreg.gather [hbm:s2], $0x80, v0, vm1, $0x38;
	[tilespmem:$0x4080] =	vst v63  }
0x41: {  	s12 =	sshll.u32 s12, $0x4;
	s14 =	simm.s32 $0x80;
	_ =	swait.ge [sflag:s4], $0x2000  }
0x42: {  	s15 =	simm.s32 $0x2480;
	s12 =	sadd.s32 s12, s7;
	[sflag:s4] =	ssyncset.done $0x0  }
0x43: {  	s16 =	sadd.s32 $0x0, s12;
	s13 =	simm.s32 $0x2080;
	[sflag:s4] =	ssyncadd.s32 $0xFFFFE000  }
.LBB2_7:
0x44: {  	[hbm:s16] =	stream.linear.scatter [tilespmem:s13], [sflag:$0x3], $0x400, $0x38;
	[tilespmem:$0x4080] =	vst v63  }
0x45: {  	s16 =	smov.u32 s14;
	s13 =	smov.u32 s15;
	p0 =	sne.s32 s14, $0x380  }
.Ltmp5:
0x46: {  	s14 =	sadd.s32 $0x80, s14;
	(pc) =	sbr.rel @p0 .LBB2_7-.Ltmp5, $2  }
0x47: {  	_ =	sdelay $0x2  }
0x48: {  	s15 =	sadd.s32 $0x400, s15;
	s16 =	sadd.s32 s16, s12  }
.Ltmp6:
0x49: {  	(pc) =	sbr.rel .LBB2_9-.Ltmp6, $2  }
0x4a: {  	_ =	sdelay $0x2  }
0x4b: {  	[hbm:s16] =	stream.linear.scatter [tilespmem:s13], [sflag:$0x3], $0x400, $0x38;
	[tilespmem:$0x4080] =	vst v63  }
.LBB2_2:
.Ltmp7:
0x4c: {  	(pc) =	sbr.rel .LBB2_10-.Ltmp7, $4  }
0x4d: {  	_ = 	snop  }
0x4e: {  	s12 =	sshrl.u32 s11, $0x3  }
0x4f: {  	s13 =	sand.u32 $0x7, s11;
	s12 =	sadd.s32 s3, s12  }
0x50: {  	[tilespmem:s9], [sflag:$0x2] =	stream.linear.gather [hbm4b:s12+s13], $0x40, $0x38;
	[tilespmem:$0x4080] =	vst v63  }
.LBB2_11:
0x51: {  	s2 =	simm.s32 $0x3  }
0x52: {  	_ =	swait.ge [sflag:s2], $0x2000  }
0x53: {  	[sflag:s2] =	ssyncset.done $0x0  }
0x54: {  	[sflag:s2] =	ssyncadd.s32 $0xFFFFE000  }
0x55: {  	_ =	sfence.sel $0x180000  }
0x56: {  	s3 =	simm.s32 $0x2;
	[bflag:$0x0] =	sbarrier.arrive $0xFFFF  }
0x57: {  	[sflag:s3] =	ssyncpa.u1 $0x1  }
0x58: {  	s31 =	simm.s32 $0x1;
	[sflag:s2] =	ssyncpa.u1 $0x1  }
0x59: {  	[sflag:s31] =	ssyncpa.u1 $0x1  }
0x5a: {  	p0 =	sne.s32 s1, $0x0;
	_ =	strace $0x90000047  }
0x5b: {  	s0 =	sadd.s32 @!p0 $0x100000, s0;
	[bflag:$0x2] =	sbarrier.arrive $0xFFFF  }
0x5c: {  	[sflag:s0] =	ssyncadd.tile.s32 @!p0 $0x1;
	_ =	shalt  }
.Lfunc_end2:
_tile_overlayer_lowered:
.L_overlay_start_2:
0x5d: {  	(tag) =	ssettag $0x2  }
0x5e: {  	s0 =	rddreg [dreg:$0x0];
	s2 =	stileid.u32  }
0x5f: {  	s1 =	rddreg [dreg:$0x1];
	p0 =	sne.s32 s2, $0x0  }
0x60: {  	s3 =	rddreg [dreg:$0x2];
	[bflag:$0x3] =	sbarrier.arrive $0xFFFF;
	s2 =	simm.s32 @!p0 $0x1C01  }
0x61: {  	[timem:s3], [sflag:s2] =	dma.local @!p0 [hbm:s0], s1  }
0x62: {  	s0 =	simm.s32 @!p0 $0x1  }
0x63: {  	_ =	swait.ge @!p0 [sflag:s0], s1  }
0x64: {  	s1 =	ssub.s32 @!p0 $0x0, s1;
	[sflag:s0] =	ssyncset.done @!p0 $0x0  }
0x65: {  	[sflag:s0] =	ssyncadd.s32 @!p0 s1  }
0x66: {  	[bflag:$0x3] =	sbarrier.arrive $0xFFFF  }
0x67: {  	_ =	shalt  }

</sc_bundles>
